<compile_context>
chip_gen: v7x
topology: tpu7x:2x2x1
jax: 0.10.2.dev20260603
libtpu: 0.0.44.dev20260713+nightly
codegen_flags: <defaults>
</compile_context>

<pallas_src>
import functools

import jax
import jax.numpy as jnp
from jax import lax
from jax.experimental import pallas as pl
from jax.experimental.pallas import tpu as pltpu
from jax.experimental.pallas import tpu_sc as plsc

NUM_EMBEDDINGS = 100000
EMBEDDING_DIM = 128
BATCH = 4096
N_FIELDS = 26

_NC = 2
_NS = 16
_NW = _NC * _NS

_CHUNK = 256
_TOTAL = BATCH * N_FIELDS
_IDX_PER_W = _TOTAL // _NW
_CHUNKS_PER_W = _IDX_PER_W // _CHUNK
_NBUF = 2


@functools.partial(
    pl.kernel,
    out_type=jax.ShapeDtypeStruct((_TOTAL, EMBEDDING_DIM), jnp.float32),
    mesh=plsc.VectorSubcoreMesh(core_axis_name="c", subcore_axis_name="s"),
    scratch_types=[
        pltpu.VMEM((_IDX_PER_W,), jnp.int32),
        pltpu.VMEM((_NBUF, _CHUNK, EMBEDDING_DIM), jnp.float32),
        pltpu.SemaphoreType.DMA((_NBUF,)),
        pltpu.SemaphoreType.DMA((_NBUF,)),
    ],
)
def _gather_kernel(idx_hbm, table_hbm, out_hbm, idx_v, bufs, gsems, ssems):
    wid = lax.axis_index("s") * _NC + lax.axis_index("c")
    pltpu.sync_copy(idx_hbm.at[wid], idx_v)
    row_base = wid * _IDX_PER_W

    def g_start(j, b):
        pltpu.async_copy(
            table_hbm.at[idx_v.at[pl.ds(j * _CHUNK, _CHUNK)]],
            bufs.at[b], gsems.at[b])

    def g_wait(j, b):
        pltpu.make_async_copy(
            table_hbm.at[idx_v.at[pl.ds(j * _CHUNK, _CHUNK)]],
            bufs.at[b], gsems.at[b]).wait()

    def s_descr(j, b):
        return bufs.at[b], out_hbm.at[pl.ds(row_base + j * _CHUNK, _CHUNK)]

    def s_start(j, b):
        src, dst = s_descr(j, b)
        pltpu.async_copy(src, dst, ssems.at[b])

    def s_wait(j, b):
        src, dst = s_descr(j, b)
        pltpu.make_async_copy(src, dst, ssems.at[b]).wait()

    for b in range(min(_NBUF, _CHUNKS_PER_W)):
        g_start(b, b)

    for j in range(_CHUNKS_PER_W):
        b = j % _NBUF
        g_wait(j, b)
        s_start(j, b)
        jn = j + _NBUF
        if jn < _CHUNKS_PER_W:
            s_wait(j, b)
            g_start(jn, b)

    for j in range(max(0, _CHUNKS_PER_W - _NBUF), _CHUNKS_PER_W):
        s_wait(j, j % _NBUF)


def kernel(token_ids, weight):
    idx = token_ids.T.reshape(_NW, _IDX_PER_W).astype(jnp.int32)
    flat = _gather_kernel(idx, weight)
    return flat.reshape(N_FIELDS, BATCH, EMBEDDING_DIM).transpose(1, 0, 2)

# --- scband reference (transcript-rebuilt; emitter-appended) ---
"""Pipeline reference for scband-embedding-8727373545559 (READ-ONLY COPY).

The authoritative reference and input builder live on the scoring server;
editing this copy changes nothing except your own understanding.
"""

import jax, jax.numpy as jnp
import numpy as np

NUM_EMBEDDINGS = 100000
EMBEDDING_DIM = 128
BATCH = 4096
N_FIELDS = 26


def setup_inputs(seed: int = 0) -> dict:
    key = jax.random.key(seed)
    k1, k2 = jax.random.split(key)
    token_ids = jax.random.randint(k1, (BATCH, N_FIELDS), 0, NUM_EMBEDDINGS, dtype=jnp.int64 if jax.config.jax_enable_x64 else jnp.int32)
    # trunc_normal_(mean=0.0, std=1.0, a=-3.0, b=3.0)
    weight = jax.random.truncated_normal(k2, -3.0, 3.0, (NUM_EMBEDDINGS, EMBEDDING_DIM), dtype=jnp.float32)
    return {"token_ids": token_ids, "weight": weight}


def reference(token_ids, weight):
    # Faithful translation of: return self.weight[token_ids]
    return jnp.take(weight, token_ids, axis=0)

if __name__ == "__main__":
    import jax
    _d = setup_inputs()
    print(jax.jit(kernel)(*tuple(_d.values())))

</pallas_src>

<mosaic_0001>
#map = affine_map<(d0, d1) -> (0, 0)>
module attributes {stable_mosaic.version = 14 : i64} {
  func.func @_gather_kernel(%arg0: i32, %arg1: i32, %arg2: memref<32x3328xi32, #tpu.memory_space<hbm>>, %arg3: memref<100000x128xf32, #tpu.memory_space<hbm>>, %arg4: memref<106496x128xf32, #tpu.memory_space<hbm>>, %arg5: memref<3328xi32, #tpu.memory_space<vmem>>, %arg6: memref<2x256x128xf32, #tpu.memory_space<vmem>>, %arg7: memref<2x!tpu.dma_semaphore, #tpu.memory_space<semaphore_mem>>, %arg8: memref<2x!tpu.dma_semaphore, #tpu.memory_space<semaphore_mem>>) attributes {dimension_semantics = [#tpu.dimension_semantics<core_parallel>, #tpu.dimension_semantics<subcore_parallel>], iteration_bounds = array<i64: 2, 16>, scalar_prefetch = 0 : i64, scratch_operands = 4 : i64, tpu.core_type = #tpu.core_type<sc_vector_subcore>, window_params = [{transform_indices = #map}, {transform_indices = #map}, {transform_indices = #map}]} {
    %mul3A = arith.constant 2 : i32
    %mul3A_0 = arith.muli %arg1, %mul3A : i32
    %add3A = arith.addi %mul3A_0, %arg0 : i32
    "tpu.region"() ({
      %run_scoped3A = tpu.sem_alloc : memref<!tpu.dma_semaphore, #tpu.memory_space<semaphore_mem>>
      %dma_start3A_807 = arith.constant 0 : i32
      %dma_start3A_808 = tpu.memref_slice %arg2[%add3A, %dma_start3A_807] : memref<32x3328xi32, #tpu.memory_space<hbm>> -> memref<1x3328xi32, #tpu.memory_space<hbm>>
      %dma_start3A_809 = tpu.memref_squeeze %dma_start3A_808 : memref<1x3328xi32, #tpu.memory_space<hbm>> -> memref<3328xi32, #tpu.memory_space<hbm>>
      %dma_start3A_810 = arith.constant 0 : i32
      %dma_start3A_811 = tpu.memref_slice %arg2[%add3A, %dma_start3A_810] : memref<32x3328xi32, #tpu.memory_space<hbm>> -> memref<1x3328xi32, #tpu.memory_space<hbm>>
      %dma_start3A_812 = tpu.memref_squeeze %dma_start3A_811 : memref<1x3328xi32, #tpu.memory_space<hbm>> -> memref<3328xi32, #tpu.memory_space<hbm>>
      tpu.enqueue_dma source(%dma_start3A_812 : memref<3328xi32, #tpu.memory_space<hbm>>) target(%arg5 : memref<3328xi32, #tpu.memory_space<vmem>>) target_semaphore(%run_scoped3A : memref<!tpu.dma_semaphore, #tpu.memory_space<semaphore_mem>>)
      %dma_wait3A_813 = arith.constant 0 : i32
      %dma_wait3A_814 = tpu.memref_slice %arg2[%add3A, %dma_wait3A_813] : memref<32x3328xi32, #tpu.memory_space<hbm>> -> memref<1x3328xi32, #tpu.memory_space<hbm>>
      %dma_wait3A_815 = tpu.memref_squeeze %dma_wait3A_814 : memref<1x3328xi32, #tpu.memory_space<hbm>> -> memref<3328xi32, #tpu.memory_space<hbm>>
      %dma_wait3A_816 = arith.constant 0 : i32
      %dma_wait3A_817 = tpu.memref_slice %arg2[%add3A, %dma_wait3A_816] : memref<32x3328xi32, #tpu.memory_space<hbm>> -> memref<1x3328xi32, #tpu.memory_space<hbm>>
      %dma_wait3A_818 = tpu.memref_squeeze %dma_wait3A_817 : memref<1x3328xi32, #tpu.memory_space<hbm>> -> memref<3328xi32, #tpu.memory_space<hbm>>
      tpu.wait_dma2 semaphore(%run_scoped3A : memref<!tpu.dma_semaphore, #tpu.memory_space<semaphore_mem>>) src(%dma_wait3A_818 : memref<3328xi32, #tpu.memory_space<hbm>>) dst(%arg5 : memref<3328xi32, #tpu.memory_space<vmem>>)
      tpu.yield
    }) : () -> ()
    %mul3A_1 = arith.constant 3328 : i32
    %mul3A_2 = arith.muli %add3A, %mul3A_1 : i32
    %dma_start3A = arith.constant 0 : i32
    %dma_start3A_3 = arith.constant 0 : i32
    %dma_start3A_4 = arith.constant 0 : i32
    %dma_start3A_5 = arith.constant 0 : i32
    %dma_start3A_6 = tpu.memref_slice %arg6[%dma_start3A, %dma_start3A_4, %dma_start3A_5] : memref<2x256x128xf32, #tpu.memory_space<vmem>> -> memref<1x256x128xf32, #tpu.memory_space<vmem>>
    %dma_start3A_7 = tpu.memref_squeeze %dma_start3A_6 : memref<1x256x128xf32, #tpu.memory_space<vmem>> -> memref<256x128xf32, #tpu.memory_space<vmem>>
    %dma_start3A_8 = arith.constant 0 : i32
    %dma_start3A_9 = tpu.memref_slice %arg5[%dma_start3A_8] : memref<3328xi32, #tpu.memory_space<vmem>> -> memref<256xi32, #tpu.memory_space<vmem>>
    %dma_start3A_10 = arith.constant 0 : i32
    %dma_start3A_11 = arith.constant 0 : i32
    %dma_start3A_12 = tpu.memref_slice %arg3[%dma_start3A_10, %dma_start3A_11] : memref<100000x128xf32, #tpu.memory_space<hbm>> -> memref<100000x128xf32, #tpu.memory_space<hbm>>
    %dma_start3A_13 = tpu.memref_slice %arg7[%dma_start3A_3] : memref<2x!tpu.dma_semaphore, #tpu.memory_space<semaphore_mem>> -> memref<1x!tpu.dma_semaphore, #tpu.memory_space<semaphore_mem>>
    %dma_start3A_14 = tpu.memref_squeeze %dma_start3A_13 : memref<1x!tpu.dma_semaphore, #tpu.memory_space<semaphore_mem>> -> memref<!tpu.dma_semaphore, #tpu.memory_space<semaphore_mem>>
    tpu.enqueue_indirect_dma source(%dma_start3A_12 : memref<100000x128xf32, #tpu.memory_space<hbm>>) target(%dma_start3A_7 : memref<256x128xf32, #tpu.memory_space<vmem>>) offsets(%dma_start3A_9 : memref<256xi32, #tpu.memory_space<vmem>>) semaphore(%dma_start3A_14 : memref<!tpu.dma_semaphore, #tpu.memory_space<semaphore_mem>>)
    %dma_start3A_15 = arith.constant 1 : i32
    %dma_start3A_16 = arith.constant 1 : i32
    %dma_start3A_17 = arith.constant 0 : i32
    %dma_start3A_18 = arith.constant 0 : i32
    %dma_start3A_19 = tpu.memref_slice %arg6[%dma_start3A_15, %dma_start3A_17, %dma_start3A_18] : memref<2x256x128xf32, #tpu.memory_space<vmem>> -> memref<1x256x128xf32, #tpu.memory_space<vmem>>
    %dma_start3A_20 = tpu.memref_squeeze %dma_start3A_19 : memref<1x256x128xf32, #tpu.memory_space<vmem>> -> memref<256x128xf32, #tpu.memory_space<vmem>>
    %dma_start3A_21 = arith.constant 256 : i32
    %dma_start3A_22 = tpu.memref_slice %arg5[%dma_start3A_21] : memref<3328xi32, #tpu.memory_space<vmem>> -> memref<256xi32, #tpu.memory_space<vmem>>
    %dma_start3A_23 = arith.constant 0 : i32
    %dma_start3A_24 = arith.constant 0 : i32
    %dma_start3A_25 = tpu.memref_slice %arg3[%dma_start3A_23, %dma_start3A_24] : memref<100000x128xf32, #tpu.memory_space<hbm>> -> memref<100000x128xf32, #tpu.memory_space<hbm>>
    %dma_start3A_26 = tpu.memref_slice %arg7[%dma_start3A_16] : memref<2x!tpu.dma_semaphore, #tpu.memory_space<semaphore_mem>> -> memref<1x!tpu.dma_semaphore, #tpu.memory_space<semaphore_mem>>
    %dma_start3A_27 = tpu.memref_squeeze %dma_start3A_26 : memref<1x!tpu.dma_semaphore, #tpu.memory_space<semaphore_mem>> -> memref<!tpu.dma_semaphore, #tpu.memory_space<semaphore_mem>>
    tpu.enqueue_indirect_dma source(%dma_start3A_25 : memref<100000x128xf32, #tpu.memory_space<hbm>>) target(%dma_start3A_20 : memref<256x128xf32, #tpu.memory_space<vmem>>) offsets(%dma_start3A_22 : memref<256xi32, #tpu.memory_space<vmem>>) semaphore(%dma_start3A_27 : memref<!tpu.dma_semaphore, #tpu.memory_space<semaphore_mem>>)
    %dma_wait3A = arith.constant 0 : i32
    %dma_wait3A_28 = arith.constant 0 : i32
    %dma_wait3A_29 = arith.constant 0 : i32
    %dma_wait3A_30 = arith.constant 0 : i32
    %dma_wait3A_31 = tpu.memref_slice %arg6[%dma_wait3A, %dma_wait3A_29, %dma_wait3A_30] : memref<2x256x128xf32, #tpu.memory_space<vmem>> -> memref<1x256x128xf32, #tpu.memory_space<vmem>>
    %dma_wait3A_32 = tpu.memref_squeeze %dma_wait3A_31 : memref<1x256x128xf32, #tpu.memory_space<vmem>> -> memref<256x128xf32, #tpu.memory_space<vmem>>
    %dma_wait3A_33 = arith.constant 0 : i32
    %dma_wait3A_34 = tpu.memref_slice %arg5[%dma_wait3A_33] : memref<3328xi32, #tpu.memory_space<vmem>> -> memref<256xi32, #tpu.memory_space<vmem>>
    %dma_wait3A_35 = arith.constant 0 : i32
    %dma_wait3A_36 = arith.constant 0 : i32
    %dma_wait3A_37 = tpu.memref_slice %arg3[%dma_wait3A_35, %dma_wait3A_36] : memref<100000x128xf32, #tpu.memory_space<hbm>> -> memref<100000x128xf32, #tpu.memory_space<hbm>>
    %dma_wait3A_38 = tpu.memref_slice %arg7[%dma_wait3A_28] : memref<2x!tpu.dma_semaphore, #tpu.memory_space<semaphore_mem>> -> memref<1x!tpu.dma_semaphore, #tpu.memory_space<semaphore_mem>>
    %dma_wait3A_39 = tpu.memref_squeeze %dma_wait3A_38 : memref<1x!tpu.dma_semaphore, #tpu.memory_space<semaphore_mem>> -> memref<!tpu.dma_semaphore, #tpu.memory_space<semaphore_mem>>
    tpu.wait_indirect_dma semaphore(%dma_wait3A_39 : memref<!tpu.dma_semaphore, #tpu.memory_space<semaphore_mem>>) src(%dma_wait3A_37 : memref<100000x128xf32, #tpu.memory_space<hbm>>) dst(%dma_wait3A_32 : memref<256x128xf32, #tpu.memory_space<vmem>>)
    %add3A_40 = arith.constant 0 : i32
    %add3A_41 = arith.addi %mul3A_2, %add3A_40 : i32
    %dma_start3A_42 = arith.constant 0 : i32
    %dma_start3A_43 = arith.constant 0 : i32
    %dma_start3A_44 = arith.constant 0 : i32
    %dma_start3A_45 = arith.constant 0 : i32
    %dma_start3A_46 = tpu.memref_slice %arg6[%dma_start3A_42, %dma_start3A_44, %dma_start3A_45] : memref<2x256x128xf32, #tpu.memory_space<vmem>> -> memref<1x256x128xf32, #tpu.memory_space<vmem>>
    %dma_start3A_47 = tpu.memref_squeeze %dma_start3A_46 : memref<1x256x128xf32, #tpu.memory_space<vmem>> -> memref<256x128xf32, #tpu.memory_space<vmem>>
    %dma_start3A_48 = arith.constant 0 : i32
    %dma_start3A_49 = tpu.memref_slice %arg4[%add3A_41, %dma_start3A_48] : memref<106496x128xf32, #tpu.memory_space<hbm>> -> memref<256x128xf32, #tpu.memory_space<hbm>>
    %dma_start3A_50 = tpu.memref_slice %arg8[%dma_start3A_43] : memref<2x!tpu.dma_semaphore, #tpu.memory_space<semaphore_mem>> -> memref<1x!tpu.dma_semaphore, #tpu.memory_space<semaphore_mem>>
    %dma_start3A_51 = tpu.memref_squeeze %dma_start3A_50 : memref<1x!tpu.dma_semaphore, #tpu.memory_space<semaphore_mem>> -> memref<!tpu.dma_semaphore, #tpu.memory_space<semaphore_mem>>
    %dma_start3A_52 = arith.constant 0 : i32
    %dma_start3A_53 = tpu.memref_slice %arg4[%add3A_41, %dma_start3A_52] : memref<106496x128xf32, #tpu.memory_space<hbm>> -> memref<256x128xf32, #tpu.memory_space<hbm>>
    %dma_start3A_54 = arith.constant 0 : i32
    %dma_start3A_55 = arith.constant 0 : i32
    %dma_start3A_56 = tpu.memref_slice %arg6[%dma_start3A_42, %dma_start3A_54, %dma_start3A_55] : memref<2x256x128xf32, #tpu.memory_space<vmem>> -> memref<1x256x128xf32, #tpu.memory_space<vmem>>
    %dma_start3A_57 = tpu.memref_squeeze %dma_start3A_56 : memref<1x256x128xf32, #tpu.memory_space<vmem>> -> memref<256x128xf32, #tpu.memory_space<vmem>>
    tpu.enqueue_dma source(%dma_start3A_57 : memref<256x128xf32, #tpu.memory_space<vmem>>) target(%dma_start3A_53 : memref<256x128xf32, #tpu.memory_space<hbm>>) target_semaphore(%dma_start3A_51 : memref<!tpu.dma_semaphore, #tpu.memory_space<semaphore_mem>>)
    %add3A_58 = arith.constant 0 : i32
    %add3A_59 = arith.addi %mul3A_2, %add3A_58 : i32
    %dma_wait3A_60 = arith.constant 0 : i32
    %dma_wait3A_61 = arith.constant 0 : i32
    %dma_wait3A_62 = arith.constant 0 : i32
    %dma_wait3A_63 = arith.constant 0 : i32
    %dma_wait3A_64 = tpu.memref_slice %arg6[%dma_wait3A_60, %dma_wait3A_62, %dma_wait3A_63] : memref<2x256x128xf32, #tpu.memory_space<vmem>> -> memref<1x256x128xf32, #tpu.memory_space<vmem>>
    %dma_wait3A_65 = tpu.memref_squeeze %dma_wait3A_64 : memref<1x256x128xf32, #tpu.memory_space<vmem>> -> memref<256x128xf32, #tpu.memory_space<vmem>>
    %dma_wait3A_66 = arith.constant 0 : i32
    %dma_wait3A_67 = tpu.memref_slice %arg4[%add3A_59, %dma_wait3A_66] : memref<106496x128xf32, #tpu.memory_space<hbm>> -> memref<256x128xf32, #tpu.memory_space<hbm>>
    %dma_wait3A_68 = tpu.memref_slice %arg8[%dma_wait3A_61] : memref<2x!tpu.dma_semaphore, #tpu.memory_space<semaphore_mem>> -> memref<1x!tpu.dma_semaphore, #tpu.memory_space<semaphore_mem>>
    %dma_wait3A_69 = tpu.memref_squeeze %dma_wait3A_68 : memref<1x!tpu.dma_semaphore, #tpu.memory_space<semaphore_mem>> -> memref<!tpu.dma_semaphore, #tpu.memory_space<semaphore_mem>>
    %dma_wait3A_70 = arith.constant 0 : i32
    %dma_wait3A_71 = tpu.memref_slice %arg4[%add3A_59, %dma_wait3A_70] : memref<106496x128xf32, #tpu.memory_space<hbm>> -> memref<256x128xf32, #tpu.memory_space<hbm>>
    %dma_wait3A_72 = arith.constant 0 : i32
    %dma_wait3A_73 = arith.constant 0 : i32
    %dma_wait3A_74 = tpu.memref_slice %arg6[%dma_wait3A_60, %dma_wait3A_72, %dma_wait3A_73] : memref<2x256x128xf32, #tpu.memory_space<vmem>> -> memref<1x256x128xf32, #tpu.memory_space<vmem>>
    %dma_wait3A_75 = tpu.memref_squeeze %dma_wait3A_74 : memref<1x256x128xf32, #tpu.memory_space<vmem>> -> memref<256x128xf32, #tpu.memory_space<vmem>>
    tpu.wait_dma2 semaphore(%dma_wait3A_69 : memref<!tpu.dma_semaphore, #tpu.memory_space<semaphore_mem>>) src(%dma_wait3A_75 : memref<256x128xf32, #tpu.memory_space<vmem>>) dst(%dma_wait3A_71 : memref<256x128xf32, #tpu.memory_space<hbm>>)
    %dma_start3A_76 = arith.constant 0 : i32
    %dma_start3A_77 = arith.constant 0 : i32
    %dma_start3A_78 = arith.constant 0 : i32
    %dma_start3A_79 = arith.constant 0 : i32
    %dma_start3A_80 = tpu.memref_slice %arg6[%dma_start3A_76, %dma_start3A_78, %dma_start3A_79] : memref<2x256x128xf32, #tpu.memory_space<vmem>> -> memref<1x256x128xf32, #tpu.memory_space<vmem>>
    %dma_start3A_81 = tpu.memref_squeeze %dma_start3A_80 : memref<1x256x128xf32, #tpu.memory_space<vmem>> -> memref<256x128xf32, #tpu.memory_space<vmem>>
    %dma_start3A_82 = arith.constant 512 : i32
    %dma_start3A_83 = tpu.memref_slice %arg5[%dma_start3A_82] : memref<3328xi32, #tpu.memory_space<vmem>> -> memref<256xi32, #tpu.memory_space<vmem>>
    %dma_start3A_84 = arith.constant 0 : i32
    %dma_start3A_85 = arith.constant 0 : i32
    %dma_start3A_86 = tpu.memref_slice %arg3[%dma_start3A_84, %dma_start3A_85] : memref<100000x128xf32, #tpu.memory_space<hbm>> -> memref<100000x128xf32, #tpu.memory_space<hbm>>
    %dma_start3A_87 = tpu.memref_slice %arg7[%dma_start3A_77] : memref<2x!tpu.dma_semaphore, #tpu.memory_space<semaphore_mem>> -> memref<1x!tpu.dma_semaphore, #tpu.memory_space<semaphore_mem>>
    %dma_start3A_88 = tpu.memref_squeeze %dma_start3A_87 : memref<1x!tpu.dma_semaphore, #tpu.memory_space<semaphore_mem>> -> memref<!tpu.dma_semaphore, #tpu.memory_space<semaphore_mem>>
    tpu.enqueue_indirect_dma source(%dma_start3A_86 : memref<100000x128xf32, #tpu.memory_space<hbm>>) target(%dma_start3A_81 : memref<256x128xf32, #tpu.memory_space<vmem>>) offsets(%dma_start3A_83 : memref<256xi32, #tpu.memory_space<vmem>>) semaphore(%dma_start3A_88 : memref<!tpu.dma_semaphore, #tpu.memory_space<semaphore_mem>>)
    %dma_wait3A_89 = arith.constant 1 : i32
    %dma_wait3A_90 = arith.constant 1 : i32
    %dma_wait3A_91 = arith.constant 0 : i32
    %dma_wait3A_92 = arith.constant 0 : i32
    %dma_wait3A_93 = tpu.memref_slice %arg6[%dma_wait3A_89, %dma_wait3A_91, %dma_wait3A_92] : memref<2x256x128xf32, #tpu.memory_space<vmem>> -> memref<1x256x128xf32, #tpu.memory_space<vmem>>
    %dma_wait3A_94 = tpu.memref_squeeze %dma_wait3A_93 : memref<1x256x128xf32, #tpu.memory_space<vmem>> -> memref<256x128xf32, #tpu.memory_space<vmem>>
    %dma_wait3A_95 = arith.constant 256 : i32
    %dma_wait3A_96 = tpu.memref_slice %arg5[%dma_wait3A_95] : memref<3328xi32, #tpu.memory_space<vmem>> -> memref<256xi32, #tpu.memory_space<vmem>>
    %dma_wait3A_97 = arith.constant 0 : i32
    %dma_wait3A_98 = arith.constant 0 : i32
    %dma_wait3A_99 = tpu.memref_slice %arg3[%dma_wait3A_97, %dma_wait3A_98] : memref<100000x128xf32, #tpu.memory_space<hbm>> -> memref<100000x128xf32, #tpu.memory_space<hbm>>
    %dma_wait3A_100 = tpu.memref_slice %arg7[%dma_wait3A_90] : memref<2x!tpu.dma_semaphore, #tpu.memory_space<semaphore_mem>> -> memref<1x!tpu.dma_semaphore, #tpu.memory_space<semaphore_mem>>
    %dma_wait3A_101 = tpu.memref_squeeze %dma_wait3A_100 : memref<1x!tpu.dma_semaphore, #tpu.memory_space<semaphore_mem>> -> memref<!tpu.dma_semaphore, #tpu.memory_space<semaphore_mem>>
    tpu.wait_indirect_dma semaphore(%dma_wait3A_101 : memref<!tpu.dma_semaphore, #tpu.memory_space<semaphore_mem>>) src(%dma_wait3A_99 : memref<100000x128xf32, #tpu.memory_space<hbm>>) dst(%dma_wait3A_94 : memref<256x128xf32, #tpu.memory_space<vmem>>)
    %add3A_102 = arith.constant 256 : i32
    %add3A_103 = arith.addi %mul3A_2, %add3A_102 : i32
    %dma_start3A_104 = arith.constant 1 : i32
    %dma_start3A_105 = arith.constant 1 : i32
    %dma_start3A_106 = arith.constant 0 : i32
    %dma_start3A_107 = arith.constant 0 : i32
    %dma_start3A_108 = tpu.memref_slice %arg6[%dma_start3A_104, %dma_start3A_106, %dma_start3A_107] : memref<2x256x128xf32, #tpu.memory_space<vmem>> -> memref<1x256x128xf32, #tpu.memory_space<vmem>>
    %dma_start3A_109 = tpu.memref_squeeze %dma_start3A_108 : memref<1x256x128xf32, #tpu.memory_space<vmem>> -> memref<256x128xf32, #tpu.memory_space<vmem>>
    %dma_start3A_110 = arith.constant 0 : i32
    %dma_start3A_111 = tpu.memref_slice %arg4[%add3A_103, %dma_start3A_110] : memref<106496x128xf32, #tpu.memory_space<hbm>> -> memref<256x128xf32, #tpu.memory_space<hbm>>
    %dma_start3A_112 = tpu.memref_slice %arg8[%dma_start3A_105] : memref<2x!tpu.dma_semaphore, #tpu.memory_space<semaphore_mem>> -> memref<1x!tpu.dma_semaphore, #tpu.memory_space<semaphore_mem>>
    %dma_start3A_113 = tpu.memref_squeeze %dma_start3A_112 : memref<1x!tpu.dma_semaphore, #tpu.memory_space<semaphore_mem>> -> memref<!tpu.dma_semaphore, #tpu.memory_space<semaphore_mem>>
    %dma_start3A_114 = arith.constant 0 : i32
    %dma_start3A_115 = tpu.memref_slice %arg4[%add3A_103, %dma_start3A_114] : memref<106496x128xf32, #tpu.memory_space<hbm>> -> memref<256x128xf32, #tpu.memory_space<hbm>>
    %dma_start3A_116 = arith.constant 0 : i32
    %dma_start3A_117 = arith.constant 0 : i32
    %dma_start3A_118 = tpu.memref_slice %arg6[%dma_start3A_104, %dma_start3A_116, %dma_start3A_117] : memref<2x256x128xf32, #tpu.memory_space<vmem>> -> memref<1x256x128xf32, #tpu.memory_space<vmem>>
    %dma_start3A_119 = tpu.memref_squeeze %dma_start3A_118 : memref<1x256x128xf32, #tpu.memory_space<vmem>> -> memref<256x128xf32, #tpu.memory_space<vmem>>
    tpu.enqueue_dma source(%dma_start3A_119 : memref<256x128xf32, #tpu.memory_space<vmem>>) target(%dma_start3A_115 : memref<256x128xf32, #tpu.memory_space<hbm>>) target_semaphore(%dma_start3A_113 : memref<!tpu.dma_semaphore, #tpu.memory_space<semaphore_mem>>)
    %add3A_120 = arith.constant 256 : i32
    %add3A_121 = arith.addi %mul3A_2, %add3A_120 : i32
    %dma_wait3A_122 = arith.constant 1 : i32
    %dma_wait3A_123 = arith.constant 1 : i32
    %dma_wait3A_124 = arith.constant 0 : i32
    %dma_wait3A_125 = arith.constant 0 : i32
    %dma_wait3A_126 = tpu.memref_slice %arg6[%dma_wait3A_122, %dma_wait3A_124, %dma_wait3A_125] : memref<2x256x128xf32, #tpu.memory_space<vmem>> -> memref<1x256x128xf32, #tpu.memory_space<vmem>>
    %dma_wait3A_127 = tpu.memref_squeeze %dma_wait3A_126 : memref<1x256x128xf32, #tpu.memory_space<vmem>> -> memref<256x128xf32, #tpu.memory_space<vmem>>
    %dma_wait3A_128 = arith.constant 0 : i32
    %dma_wait3A_129 = tpu.memref_slice %arg4[%add3A_121, %dma_wait3A_128] : memref<106496x128xf32, #tpu.memory_space<hbm>> -> memref<256x128xf32, #tpu.memory_space<hbm>>
    %dma_wait3A_130 = tpu.memref_slice %arg8[%dma_wait3A_123] : memref<2x!tpu.dma_semaphore, #tpu.memory_space<semaphore_mem>> -> memref<1x!tpu.dma_semaphore, #tpu.memory_space<semaphore_mem>>
    %dma_wait3A_131 = tpu.memref_squeeze %dma_wait3A_130 : memref<1x!tpu.dma_semaphore, #tpu.memory_space<semaphore_mem>> -> memref<!tpu.dma_semaphore, #tpu.memory_space<semaphore_mem>>
    %dma_wait3A_132 = arith.constant 0 : i32
    %dma_wait3A_133 = tpu.memref_slice %arg4[%add3A_121, %dma_wait3A_132] : memref<106496x128xf32, #tpu.memory_space<hbm>> -> memref<256x128xf32, #tpu.memory_space<hbm>>
    %dma_wait3A_134 = arith.constant 0 : i32
    %dma_wait3A_135 = arith.constant 0 : i32
    %dma_wait3A_136 = tpu.memref_slice %arg6[%dma_wait3A_122, %dma_wait3A_134, %dma_wait3A_135] : memref<2x256x128xf32, #tpu.memory_space<vmem>> -> memref<1x256x128xf32, #tpu.memory_space<vmem>>
    %dma_wait3A_137 = tpu.memref_squeeze %dma_wait3A_136 : memref<1x256x128xf32, #tpu.memory_space<vmem>> -> memref<256x128xf32, #tpu.memory_space<vmem>>
    tpu.wait_dma2 semaphore(%dma_wait3A_131 : memref<!tpu.dma_semaphore, #tpu.memory_space<semaphore_mem>>) src(%dma_wait3A_137 : memref<256x128xf32, #tpu.memory_space<vmem>>) dst(%dma_wait3A_133 : memref<256x128xf32, #tpu.memory_space<hbm>>)
    %dma_start3A_138 = arith.constant 1 : i32
    %dma_start3A_139 = arith.constant 1 : i32
    %dma_start3A_140 = arith.constant 0 : i32
    %dma_start3A_141 = arith.constant 0 : i32
    %dma_start3A_142 = tpu.memref_slice %arg6[%dma_start3A_138, %dma_start3A_140, %dma_start3A_141] : memref<2x256x128xf32, #tpu.memory_space<vmem>> -> memref<1x256x128xf32, #tpu.memory_space<vmem>>
    %dma_start3A_143 = tpu.memref_squeeze %dma_start3A_142 : memref<1x256x128xf32, #tpu.memory_space<vmem>> -> memref<256x128xf32, #tpu.memory_space<vmem>>
    %dma_start3A_144 = arith.constant 768 : i32
    %dma_start3A_145 = tpu.memref_slice %arg5[%dma_start3A_144] : memref<3328xi32, #tpu.memory_space<vmem>> -> memref<256xi32, #tpu.memory_space<vmem>>
    %dma_start3A_146 = arith.constant 0 : i32
    %dma_start3A_147 = arith.constant 0 : i32
    %dma_start3A_148 = tpu.memref_slice %arg3[%dma_start3A_146, %dma_start3A_147] : memref<100000x128xf32, #tpu.memory_space<hbm>> -> memref<100000x128xf32, #tpu.memory_space<hbm>>
    %dma_start3A_149 = tpu.memref_slice %arg7[%dma_start3A_139] : memref<2x!tpu.dma_semaphore, #tpu.memory_space<semaphore_mem>> -> memref<1x!tpu.dma_semaphore, #tpu.memory_space<semaphore_mem>>
    %dma_start3A_150 = tpu.memref_squeeze %dma_start3A_149 : memref<1x!tpu.dma_semaphore, #tpu.memory_space<semaphore_mem>> -> memref<!tpu.dma_semaphore, #tpu.memory_space<semaphore_mem>>
    tpu.enqueue_indirect_dma source(%dma_start3A_148 : memref<100000x128xf32, #tpu.memory_space<hbm>>) target(%dma_start3A_143 : memref<256x128xf32, #tpu.memory_space<vmem>>) offsets(%dma_start3A_145 : memref<256xi32, #tpu.memory_space<vmem>>) semaphore(%dma_start3A_150 : memref<!tpu.dma_semaphore, #tpu.memory_space<semaphore_mem>>)
    %dma_wait3A_151 = arith.constant 0 : i32
    %dma_wait3A_152 = arith.constant 0 : i32
    %dma_wait3A_153 = arith.constant 0 : i32
    %dma_wait3A_154 = arith.constant 0 : i32
    %dma_wait3A_155 = tpu.memref_slice %arg6[%dma_wait3A_151, %dma_wait3A_153, %dma_wait3A_154] : memref<2x256x128xf32, #tpu.memory_space<vmem>> -> memref<1x256x128xf32, #tpu.memory_space<vmem>>
    %dma_wait3A_156 = tpu.memref_squeeze %dma_wait3A_155 : memref<1x256x128xf32, #tpu.memory_space<vmem>> -> memref<256x128xf32, #tpu.memory_space<vmem>>
    %dma_wait3A_157 = arith.constant 512 : i32
    %dma_wait3A_158 = tpu.memref_slice %arg5[%dma_wait3A_157] : memref<3328xi32, #tpu.memory_space<vmem>> -> memref<256xi32, #tpu.memory_space<vmem>>
    %dma_wait3A_159 = arith.constant 0 : i32
    %dma_wait3A_160 = arith.constant 0 : i32
    %dma_wait3A_161 = tpu.memref_slice %arg3[%dma_wait3A_159, %dma_wait3A_160] : memref<100000x128xf32, #tpu.memory_space<hbm>> -> memref<100000x128xf32, #tpu.memory_space<hbm>>
    %dma_wait3A_162 = tpu.memref_slice %arg7[%dma_wait3A_152] : memref<2x!tpu.dma_semaphore, #tpu.memory_space<semaphore_mem>> -> memref<1x!tpu.dma_semaphore, #tpu.memory_space<semaphore_mem>>
    %dma_wait3A_163 = tpu.memref_squeeze %dma_wait3A_162 : memref<1x!tpu.dma_semaphore, #tpu.memory_space<semaphore_mem>> -> memref<!tpu.dma_semaphore, #tpu.memory_space<semaphore_mem>>
    tpu.wait_indirect_dma semaphore(%dma_wait3A_163 : memref<!tpu.dma_semaphore, #tpu.memory_space<semaphore_mem>>) src(%dma_wait3A_161 : memref<100000x128xf32, #tpu.memory_space<hbm>>) dst(%dma_wait3A_156 : memref<256x128xf32, #tpu.memory_space<vmem>>)
    %add3A_164 = arith.constant 512 : i32
    %add3A_165 = arith.addi %mul3A_2, %add3A_164 : i32
    %dma_start3A_166 = arith.constant 0 : i32
    %dma_start3A_167 = arith.constant 0 : i32
    %dma_start3A_168 = arith.constant 0 : i32
    %dma_start3A_169 = arith.constant 0 : i32
    %dma_start3A_170 = tpu.memref_slice %arg6[%dma_start3A_166, %dma_start3A_168, %dma_start3A_169] : memref<2x256x128xf32, #tpu.memory_space<vmem>> -> memref<1x256x128xf32, #tpu.memory_space<vmem>>
    %dma_start3A_171 = tpu.memref_squeeze %dma_start3A_170 : memref<1x256x128xf32, #tpu.memory_space<vmem>> -> memref<256x128xf32, #tpu.memory_space<vmem>>
    %dma_start3A_172 = arith.constant 0 : i32
    %dma_start3A_173 = tpu.memref_slice %arg4[%add3A_165, %dma_start3A_172] : memref<106496x128xf32, #tpu.memory_space<hbm>> -> memref<256x128xf32, #tpu.memory_space<hbm>>
    %dma_start3A_174 = tpu.memref_slice %arg8[%dma_start3A_167] : memref<2x!tpu.dma_semaphore, #tpu.memory_space<semaphore_mem>> -> memref<1x!tpu.dma_semaphore, #tpu.memory_space<semaphore_mem>>
    %dma_start3A_175 = tpu.memref_squeeze %dma_start3A_174 : memref<1x!tpu.dma_semaphore, #tpu.memory_space<semaphore_mem>> -> memref<!tpu.dma_semaphore, #tpu.memory_space<semaphore_mem>>
    %dma_start3A_176 = arith.constant 0 : i32
    %dma_start3A_177 = tpu.memref_slice %arg4[%add3A_165, %dma_start3A_176] : memref<106496x128xf32, #tpu.memory_space<hbm>> -> memref<256x128xf32, #tpu.memory_space<hbm>>
    %dma_start3A_178 = arith.constant 0 : i32
    %dma_start3A_179 = arith.constant 0 : i32
    %dma_start3A_180 = tpu.memref_slice %arg6[%dma_start3A_166, %dma_start3A_178, %dma_start3A_179] : memref<2x256x128xf32, #tpu.memory_space<vmem>> -> memref<1x256x128xf32, #tpu.memory_space<vmem>>
    %dma_start3A_181 = tpu.memref_squeeze %dma_start3A_180 : memref<1x256x128xf32, #tpu.memory_space<vmem>> -> memref<256x128xf32, #tpu.memory_space<vmem>>
    tpu.enqueue_dma source(%dma_start3A_181 : memref<256x128xf32, #tpu.memory_space<vmem>>) target(%dma_start3A_177 : memref<256x128xf32, #tpu.memory_space<hbm>>) target_semaphore(%dma_start3A_175 : memref<!tpu.dma_semaphore, #tpu.memory_space<semaphore_mem>>)
    %add3A_182 = arith.constant 512 : i32
    %add3A_183 = arith.addi %mul3A_2, %add3A_182 : i32
    %dma_wait3A_184 = arith.constant 0 : i32
    %dma_wait3A_185 = arith.constant 0 : i32
    %dma_wait3A_186 = arith.constant 0 : i32
    %dma_wait3A_187 = arith.constant 0 : i32
    %dma_wait3A_188 = tpu.memref_slice %arg6[%dma_wait3A_184, %dma_wait3A_186, %dma_wait3A_187] : memref<2x256x128xf32, #tpu.memory_space<vmem>> -> memref<1x256x128xf32, #tpu.memory_space<vmem>>
    %dma_wait3A_189 = tpu.memref_squeeze %dma_wait3A_188 : memref<1x256x128xf32, #tpu.memory_space<vmem>> -> memref<256x128xf32, #tpu.memory_space<vmem>>
    %dma_wait3A_190 = arith.constant 0 : i32
    %dma_wait3A_191 = tpu.memref_slice %arg4[%add3A_183, %dma_wait3A_190] : memref<106496x128xf32, #tpu.memory_space<hbm>> -> memref<256x128xf32, #tpu.memory_space<hbm>>
    %dma_wait3A_192 = tpu.memref_slice %arg8[%dma_wait3A_185] : memref<2x!tpu.dma_semaphore, #tpu.memory_space<semaphore_mem>> -> memref<1x!tpu.dma_semaphore, #tpu.memory_space<semaphore_mem>>
    %dma_wait3A_193 = tpu.memref_squeeze %dma_wait3A_192 : memref<1x!tpu.dma_semaphore, #tpu.memory_space<semaphore_mem>> -> memref<!tpu.dma_semaphore, #tpu.memory_space<semaphore_mem>>
    %dma_wait3A_194 = arith.constant 0 : i32
    %dma_wait3A_195 = tpu.memref_slice %arg4[%add3A_183, %dma_wait3A_194] : memref<106496x128xf32, #tpu.memory_space<hbm>> -> memref<256x128xf32, #tpu.memory_space<hbm>>
    %dma_wait3A_196 = arith.constant 0 : i32
    %dma_wait3A_197 = arith.constant 0 : i32
    %dma_wait3A_198 = tpu.memref_slice %arg6[%dma_wait3A_184, %dma_wait3A_196, %dma_wait3A_197] : memref<2x256x128xf32, #tpu.memory_space<vmem>> -> memref<1x256x128xf32, #tpu.memory_space<vmem>>
    %dma_wait3A_199 = tpu.memref_squeeze %dma_wait3A_198 : memref<1x256x128xf32, #tpu.memory_space<vmem>> -> memref<256x128xf32, #tpu.memory_space<vmem>>
    tpu.wait_dma2 semaphore(%dma_wait3A_193 : memref<!tpu.dma_semaphore, #tpu.memory_space<semaphore_mem>>) src(%dma_wait3A_199 : memref<256x128xf32, #tpu.memory_space<vmem>>) dst(%dma_wait3A_195 : memref<256x128xf32, #tpu.memory_space<hbm>>)
    %dma_start3A_200 = arith.constant 0 : i32
    %dma_start3A_201 = arith.constant 0 : i32
    %dma_start3A_202 = arith.constant 0 : i32
    %dma_start3A_203 = arith.constant 0 : i32
    %dma_start3A_204 = tpu.memref_slice %arg6[%dma_start3A_200, %dma_start3A_202, %dma_start3A_203] : memref<2x256x128xf32, #tpu.memory_space<vmem>> -> memref<1x256x128xf32, #tpu.memory_space<vmem>>
    %dma_start3A_205 = tpu.memref_squeeze %dma_start3A_204 : memref<1x256x128xf32, #tpu.memory_space<vmem>> -> memref<256x128xf32, #tpu.memory_space<vmem>>
    %dma_start3A_206 = arith.constant 1024 : i32
    %dma_start3A_207 = tpu.memref_slice %arg5[%dma_start3A_206] : memref<3328xi32, #tpu.memory_space<vmem>> -> memref<256xi32, #tpu.memory_space<vmem>>
    %dma_start3A_208 = arith.constant 0 : i32
    %dma_start3A_209 = arith.constant 0 : i32
    %dma_start3A_210 = tpu.memref_slice %arg3[%dma_start3A_208, %dma_start3A_209] : memref<100000x128xf32, #tpu.memory_space<hbm>> -> memref<100000x128xf32, #tpu.memory_space<hbm>>
    %dma_start3A_211 = tpu.memref_slice %arg7[%dma_start3A_201] : memref<2x!tpu.dma_semaphore, #tpu.memory_space<semaphore_mem>> -> memref<1x!tpu.dma_semaphore, #tpu.memory_space<semaphore_mem>>
    %dma_start3A_212 = tpu.memref_squeeze %dma_start3A_211 : memref<1x!tpu.dma_semaphore, #tpu.memory_space<semaphore_mem>> -> memref<!tpu.dma_semaphore, #tpu.memory_space<semaphore_mem>>
    tpu.enqueue_indirect_dma source(%dma_start3A_210 : memref<100000x128xf32, #tpu.memory_space<hbm>>) target(%dma_start3A_205 : memref<256x128xf32, #tpu.memory_space<vmem>>) offsets(%dma_start3A_207 : memref<256xi32, #tpu.memory_space<vmem>>) semaphore(%dma_start3A_212 : memref<!tpu.dma_semaphore, #tpu.memory_space<semaphore_mem>>)
    %dma_wait3A_213 = arith.constant 1 : i32
    %dma_wait3A_214 = arith.constant 1 : i32
    %dma_wait3A_215 = arith.constant 0 : i32
    %dma_wait3A_216 = arith.constant 0 : i32
    %dma_wait3A_217 = tpu.memref_slice %arg6[%dma_wait3A_213, %dma_wait3A_215, %dma_wait3A_216] : memref<2x256x128xf32, #tpu.memory_space<vmem>> -> memref<1x256x128xf32, #tpu.memory_space<vmem>>
    %dma_wait3A_218 = tpu.memref_squeeze %dma_wait3A_217 : memref<1x256x128xf32, #tpu.memory_space<vmem>> -> memref<256x128xf32, #tpu.memory_space<vmem>>
    %dma_wait3A_219 = arith.constant 768 : i32
    %dma_wait3A_220 = tpu.memref_slice %arg5[%dma_wait3A_219] : memref<3328xi32, #tpu.memory_space<vmem>> -> memref<256xi32, #tpu.memory_space<vmem>>
    %dma_wait3A_221 = arith.constant 0 : i32
    %dma_wait3A_222 = arith.constant 0 : i32
    %dma_wait3A_223 = tpu.memref_slice %arg3[%dma_wait3A_221, %dma_wait3A_222] : memref<100000x128xf32, #tpu.memory_space<hbm>> -> memref<100000x128xf32, #tpu.memory_space<hbm>>
    %dma_wait3A_224 = tpu.memref_slice %arg7[%dma_wait3A_214] : memref<2x!tpu.dma_semaphore, #tpu.memory_space<semaphore_mem>> -> memref<1x!tpu.dma_semaphore, #tpu.memory_space<semaphore_mem>>
    %dma_wait3A_225 = tpu.memref_squeeze %dma_wait3A_224 : memref<1x!tpu.dma_semaphore, #tpu.memory_space<semaphore_mem>> -> memref<!tpu.dma_semaphore, #tpu.memory_space<semaphore_mem>>
    tpu.wait_indirect_dma semaphore(%dma_wait3A_225 : memref<!tpu.dma_semaphore, #tpu.memory_space<semaphore_mem>>) src(%dma_wait3A_223 : memref<100000x128xf32, #tpu.memory_space<hbm>>) dst(%dma_wait3A_218 : memref<256x128xf32, #tpu.memory_space<vmem>>)
    %add3A_226 = arith.constant 768 : i32
    %add3A_227 = arith.addi %mul3A_2, %add3A_226 : i32
    %dma_start3A_228 = arith.constant 1 : i32
    %dma_start3A_229 = arith.constant 1 : i32
    %dma_start3A_230 = arith.constant 0 : i32
    %dma_start3A_231 = arith.constant 0 : i32
    %dma_start3A_232 = tpu.memref_slice %arg6[%dma_start3A_228, %dma_start3A_230, %dma_start3A_231] : memref<2x256x128xf32, #tpu.memory_space<vmem>> -> memref<1x256x128xf32, #tpu.memory_space<vmem>>
    %dma_start3A_233 = tpu.memref_squeeze %dma_start3A_232 : memref<1x256x128xf32, #tpu.memory_space<vmem>> -> memref<256x128xf32, #tpu.memory_space<vmem>>
    %dma_start3A_234 = arith.constant 0 : i32
    %dma_start3A_235 = tpu.memref_slice %arg4[%add3A_227, %dma_start3A_234] : memref<106496x128xf32, #tpu.memory_space<hbm>> -> memref<256x128xf32, #tpu.memory_space<hbm>>
    %dma_start3A_236 = tpu.memref_slice %arg8[%dma_start3A_229] : memref<2x!tpu.dma_semaphore, #tpu.memory_space<semaphore_mem>> -> memref<1x!tpu.dma_semaphore, #tpu.memory_space<semaphore_mem>>
    %dma_start3A_237 = tpu.memref_squeeze %dma_start3A_236 : memref<1x!tpu.dma_semaphore, #tpu.memory_space<semaphore_mem>> -> memref<!tpu.dma_semaphore, #tpu.memory_space<semaphore_mem>>
    %dma_start3A_238 = arith.constant 0 : i32
    %dma_start3A_239 = tpu.memref_slice %arg4[%add3A_227, %dma_start3A_238] : memref<106496x128xf32, #tpu.memory_space<hbm>> -> memref<256x128xf32, #tpu.memory_space<hbm>>
    %dma_start3A_240 = arith.constant 0 : i32
    %dma_start3A_241 = arith.constant 0 : i32
    %dma_start3A_242 = tpu.memref_slice %arg6[%dma_start3A_228, %dma_start3A_240, %dma_start3A_241] : memref<2x256x128xf32, #tpu.memory_space<vmem>> -> memref<1x256x128xf32, #tpu.memory_space<vmem>>
    %dma_start3A_243 = tpu.memref_squeeze %dma_start3A_242 : memref<1x256x128xf32, #tpu.memory_space<vmem>> -> memref<256x128xf32, #tpu.memory_space<vmem>>
    tpu.enqueue_dma source(%dma_start3A_243 : memref<256x128xf32, #tpu.memory_space<vmem>>) target(%dma_start3A_239 : memref<256x128xf32, #tpu.memory_space<hbm>>) target_semaphore(%dma_start3A_237 : memref<!tpu.dma_semaphore, #tpu.memory_space<semaphore_mem>>)
    %add3A_244 = arith.constant 768 : i32
    %add3A_245 = arith.addi %mul3A_2, %add3A_244 : i32
    %dma_wait3A_246 = arith.constant 1 : i32
    %dma_wait3A_247 = arith.constant 1 : i32
    %dma_wait3A_248 = arith.constant 0 : i32
    %dma_wait3A_249 = arith.constant 0 : i32
    %dma_wait3A_250 = tpu.memref_slice %arg6[%dma_wait3A_246, %dma_wait3A_248, %dma_wait3A_249] : memref<2x256x128xf32, #tpu.memory_space<vmem>> -> memref<1x256x128xf32, #tpu.memory_space<vmem>>
    %dma_wait3A_251 = tpu.memref_squeeze %dma_wait3A_250 : memref<1x256x128xf32, #tpu.memory_space<vmem>> -> memref<256x128xf32, #tpu.memory_space<vmem>>
    %dma_wait3A_252 = arith.constant 0 : i32
    %dma_wait3A_253 = tpu.memref_slice %arg4[%add3A_245, %dma_wait3A_252] : memref<106496x128xf32, #tpu.memory_space<hbm>> -> memref<256x128xf32, #tpu.memory_space<hbm>>
    %dma_wait3A_254 = tpu.memref_slice %arg8[%dma_wait3A_247] : memref<2x!tpu.dma_semaphore, #tpu.memory_space<semaphore_mem>> -> memref<1x!tpu.dma_semaphore, #tpu.memory_space<semaphore_mem>>
    %dma_wait3A_255 = tpu.memref_squeeze %dma_wait3A_254 : memref<1x!tpu.dma_semaphore, #tpu.memory_space<semaphore_mem>> -> memref<!tpu.dma_semaphore, #tpu.memory_space<semaphore_mem>>
    %dma_wait3A_256 = arith.constant 0 : i32
    %dma_wait3A_257 = tpu.memref_slice %arg4[%add3A_245, %dma_wait3A_256] : memref<106496x128xf32, #tpu.memory_space<hbm>> -> memref<256x128xf32, #tpu.memory_space<hbm>>
    %dma_wait3A_258 = arith.constant 0 : i32
    %dma_wait3A_259 = arith.constant 0 : i32
    %dma_wait3A_260 = tpu.memref_slice %arg6[%dma_wait3A_246, %dma_wait3A_258, %dma_wait3A_259] : memref<2x256x128xf32, #tpu.memory_space<vmem>> -> memref<1x256x128xf32, #tpu.memory_space<vmem>>
    %dma_wait3A_261 = tpu.memref_squeeze %dma_wait3A_260 : memref<1x256x128xf32, #tpu.memory_space<vmem>> -> memref<256x128xf32, #tpu.memory_space<vmem>>
    tpu.wait_dma2 semaphore(%dma_wait3A_255 : memref<!tpu.dma_semaphore, #tpu.memory_space<semaphore_mem>>) src(%dma_wait3A_261 : memref<256x128xf32, #tpu.memory_space<vmem>>) dst(%dma_wait3A_257 : memref<256x128xf32, #tpu.memory_space<hbm>>)
    %dma_start3A_262 = arith.constant 1 : i32
    %dma_start3A_263 = arith.constant 1 : i32
    %dma_start3A_264 = arith.constant 0 : i32
    %dma_start3A_265 = arith.constant 0 : i32
    %dma_start3A_266 = tpu.memref_slice %arg6[%dma_start3A_262, %dma_start3A_264, %dma_start3A_265] : memref<2x256x128xf32, #tpu.memory_space<vmem>> -> memref<1x256x128xf32, #tpu.memory_space<vmem>>
    %dma_start3A_267 = tpu.memref_squeeze %dma_start3A_266 : memref<1x256x128xf32, #tpu.memory_space<vmem>> -> memref<256x128xf32, #tpu.memory_space<vmem>>
    %dma_start3A_268 = arith.constant 1280 : i32
    %dma_start3A_269 = tpu.memref_slice %arg5[%dma_start3A_268] : memref<3328xi32, #tpu.memory_space<vmem>> -> memref<256xi32, #tpu.memory_space<vmem>>
    %dma_start3A_270 = arith.constant 0 : i32
    %dma_start3A_271 = arith.constant 0 : i32
    %dma_start3A_272 = tpu.memref_slice %arg3[%dma_start3A_270, %dma_start3A_271] : memref<100000x128xf32, #tpu.memory_space<hbm>> -> memref<100000x128xf32, #tpu.memory_space<hbm>>
    %dma_start3A_273 = tpu.memref_slice %arg7[%dma_start3A_263] : memref<2x!tpu.dma_semaphore, #tpu.memory_space<semaphore_mem>> -> memref<1x!tpu.dma_semaphore, #tpu.memory_space<semaphore_mem>>
    %dma_start3A_274 = tpu.memref_squeeze %dma_start3A_273 : memref<1x!tpu.dma_semaphore, #tpu.memory_space<semaphore_mem>> -> memref<!tpu.dma_semaphore, #tpu.memory_space<semaphore_mem>>
    tpu.enqueue_indirect_dma source(%dma_start3A_272 : memref<100000x128xf32, #tpu.memory_space<hbm>>) target(%dma_start3A_267 : memref<256x128xf32, #tpu.memory_space<vmem>>) offsets(%dma_start3A_269 : memref<256xi32, #tpu.memory_space<vmem>>) semaphore(%dma_start3A_274 : memref<!tpu.dma_semaphore, #tpu.memory_space<semaphore_mem>>)
    %dma_wait3A_275 = arith.constant 0 : i32
    %dma_wait3A_276 = arith.constant 0 : i32
    %dma_wait3A_277 = arith.constant 0 : i32
    %dma_wait3A_278 = arith.constant 0 : i32
    %dma_wait3A_279 = tpu.memref_slice %arg6[%dma_wait3A_275, %dma_wait3A_277, %dma_wait3A_278] : memref<2x256x128xf32, #tpu.memory_space<vmem>> -> memref<1x256x128xf32, #tpu.memory_space<vmem>>
    %dma_wait3A_280 = tpu.memref_squeeze %dma_wait3A_279 : memref<1x256x128xf32, #tpu.memory_space<vmem>> -> memref<256x128xf32, #tpu.memory_space<vmem>>
    %dma_wait3A_281 = arith.constant 1024 : i32
    %dma_wait3A_282 = tpu.memref_slice %arg5[%dma_wait3A_281] : memref<3328xi32, #tpu.memory_space<vmem>> -> memref<256xi32, #tpu.memory_space<vmem>>
    %dma_wait3A_283 = arith.constant 0 : i32
    %dma_wait3A_284 = arith.constant 0 : i32
    %dma_wait3A_285 = tpu.memref_slice %arg3[%dma_wait3A_283, %dma_wait3A_284] : memref<100000x128xf32, #tpu.memory_space<hbm>> -> memref<100000x128xf32, #tpu.memory_space<hbm>>
    %dma_wait3A_286 = tpu.memref_slice %arg7[%dma_wait3A_276] : memref<2x!tpu.dma_semaphore, #tpu.memory_space<semaphore_mem>> -> memref<1x!tpu.dma_semaphore, #tpu.memory_space<semaphore_mem>>
    %dma_wait3A_287 = tpu.memref_squeeze %dma_wait3A_286 : memref<1x!tpu.dma_semaphore, #tpu.memory_space<semaphore_mem>> -> memref<!tpu.dma_semaphore, #tpu.memory_space<semaphore_mem>>
    tpu.wait_indirect_dma semaphore(%dma_wait3A_287 : memref<!tpu.dma_semaphore, #tpu.memory_space<semaphore_mem>>) src(%dma_wait3A_285 : memref<100000x128xf32, #tpu.memory_space<hbm>>) dst(%dma_wait3A_280 : memref<256x128xf32, #tpu.memory_space<vmem>>)
    %add3A_288 = arith.constant 1024 : i32
    %add3A_289 = arith.addi %mul3A_2, %add3A_288 : i32
    %dma_start3A_290 = arith.constant 0 : i32
    %dma_start3A_291 = arith.constant 0 : i32
    %dma_start3A_292 = arith.constant 0 : i32
    %dma_start3A_293 = arith.constant 0 : i32
    %dma_start3A_294 = tpu.memref_slice %arg6[%dma_start3A_290, %dma_start3A_292, %dma_start3A_293] : memref<2x256x128xf32, #tpu.memory_space<vmem>> -> memref<1x256x128xf32, #tpu.memory_space<vmem>>
    %dma_start3A_295 = tpu.memref_squeeze %dma_start3A_294 : memref<1x256x128xf32, #tpu.memory_space<vmem>> -> memref<256x128xf32, #tpu.memory_space<vmem>>
    %dma_start3A_296 = arith.constant 0 : i32
    %dma_start3A_297 = tpu.memref_slice %arg4[%add3A_289, %dma_start3A_296] : memref<106496x128xf32, #tpu.memory_space<hbm>> -> memref<256x128xf32, #tpu.memory_space<hbm>>
    %dma_start3A_298 = tpu.memref_slice %arg8[%dma_start3A_291] : memref<2x!tpu.dma_semaphore, #tpu.memory_space<semaphore_mem>> -> memref<1x!tpu.dma_semaphore, #tpu.memory_space<semaphore_mem>>
    %dma_start3A_299 = tpu.memref_squeeze %dma_start3A_298 : memref<1x!tpu.dma_semaphore, #tpu.memory_space<semaphore_mem>> -> memref<!tpu.dma_semaphore, #tpu.memory_space<semaphore_mem>>
    %dma_start3A_300 = arith.constant 0 : i32
    %dma_start3A_301 = tpu.memref_slice %arg4[%add3A_289, %dma_start3A_300] : memref<106496x128xf32, #tpu.memory_space<hbm>> -> memref<256x128xf32, #tpu.memory_space<hbm>>
    %dma_start3A_302 = arith.constant 0 : i32
    %dma_start3A_303 = arith.constant 0 : i32
    %dma_start3A_304 = tpu.memref_slice %arg6[%dma_start3A_290, %dma_start3A_302, %dma_start3A_303] : memref<2x256x128xf32, #tpu.memory_space<vmem>> -> memref<1x256x128xf32, #tpu.memory_space<vmem>>
    %dma_start3A_305 = tpu.memref_squeeze %dma_start3A_304 : memref<1x256x128xf32, #tpu.memory_space<vmem>> -> memref<256x128xf32, #tpu.memory_space<vmem>>
    tpu.enqueue_dma source(%dma_start3A_305 : memref<256x128xf32, #tpu.memory_space<vmem>>) target(%dma_start3A_301 : memref<256x128xf32, #tpu.memory_space<hbm>>) target_semaphore(%dma_start3A_299 : memref<!tpu.dma_semaphore, #tpu.memory_space<semaphore_mem>>)
    %add3A_306 = arith.constant 1024 : i32
    %add3A_307 = arith.addi %mul3A_2, %add3A_306 : i32
    %dma_wait3A_308 = arith.constant 0 : i32
    %dma_wait3A_309 = arith.constant 0 : i32
    %dma_wait3A_310 = arith.constant 0 : i32
    %dma_wait3A_311 = arith.constant 0 : i32
    %dma_wait3A_312 = tpu.memref_slice %arg6[%dma_wait3A_308, %dma_wait3A_310, %dma_wait3A_311] : memref<2x256x128xf32, #tpu.memory_space<vmem>> -> memref<1x256x128xf32, #tpu.memory_space<vmem>>
    %dma_wait3A_313 = tpu.memref_squeeze %dma_wait3A_312 : memref<1x256x128xf32, #tpu.memory_space<vmem>> -> memref<256x128xf32, #tpu.memory_space<vmem>>
    %dma_wait3A_314 = arith.constant 0 : i32
    %dma_wait3A_315 = tpu.memref_slice %arg4[%add3A_307, %dma_wait3A_314] : memref<106496x128xf32, #tpu.memory_space<hbm>> -> memref<256x128xf32, #tpu.memory_space<hbm>>
    %dma_wait3A_316 = tpu.memref_slice %arg8[%dma_wait3A_309] : memref<2x!tpu.dma_semaphore, #tpu.memory_space<semaphore_mem>> -> memref<1x!tpu.dma_semaphore, #tpu.memory_space<semaphore_mem>>
    %dma_wait3A_317 = tpu.memref_squeeze %dma_wait3A_316 : memref<1x!tpu.dma_semaphore, #tpu.memory_space<semaphore_mem>> -> memref<!tpu.dma_semaphore, #tpu.memory_space<semaphore_mem>>
    %dma_wait3A_318 = arith.constant 0 : i32
    %dma_wait3A_319 = tpu.memref_slice %arg4[%add3A_307, %dma_wait3A_318] : memref<106496x128xf32, #tpu.memory_space<hbm>> -> memref<256x128xf32, #tpu.memory_space<hbm>>
    %dma_wait3A_320 = arith.constant 0 : i32
    %dma_wait3A_321 = arith.constant 0 : i32
    %dma_wait3A_322 = tpu.memref_slice %arg6[%dma_wait3A_308, %dma_wait3A_320, %dma_wait3A_321] : memref<2x256x128xf32, #tpu.memory_space<vmem>> -> memref<1x256x128xf32, #tpu.memory_space<vmem>>
    %dma_wait3A_323 = tpu.memref_squeeze %dma_wait3A_322 : memref<1x256x128xf32, #tpu.memory_space<vmem>> -> memref<256x128xf32, #tpu.memory_space<vmem>>
    tpu.wait_dma2 semaphore(%dma_wait3A_317 : memref<!tpu.dma_semaphore, #tpu.memory_space<semaphore_mem>>) src(%dma_wait3A_323 : memref<256x128xf32, #tpu.memory_space<vmem>>) dst(%dma_wait3A_319 : memref<256x128xf32, #tpu.memory_space<hbm>>)
    %dma_start3A_324 = arith.constant 0 : i32
    %dma_start3A_325 = arith.constant 0 : i32
    %dma_start3A_326 = arith.constant 0 : i32
    %dma_start3A_327 = arith.constant 0 : i32
    %dma_start3A_328 = tpu.memref_slice %arg6[%dma_start3A_324, %dma_start3A_326, %dma_start3A_327] : memref<2x256x128xf32, #tpu.memory_space<vmem>> -> memref<1x256x128xf32, #tpu.memory_space<vmem>>
    %dma_start3A_329 = tpu.memref_squeeze %dma_start3A_328 : memref<1x256x128xf32, #tpu.memory_space<vmem>> -> memref<256x128xf32, #tpu.memory_space<vmem>>
    %dma_start3A_330 = arith.constant 1536 : i32
    %dma_start3A_331 = tpu.memref_slice %arg5[%dma_start3A_330] : memref<3328xi32, #tpu.memory_space<vmem>> -> memref<256xi32, #tpu.memory_space<vmem>>
    %dma_start3A_332 = arith.constant 0 : i32
    %dma_start3A_333 = arith.constant 0 : i32
    %dma_start3A_334 = tpu.memref_slice %arg3[%dma_start3A_332, %dma_start3A_333] : memref<100000x128xf32, #tpu.memory_space<hbm>> -> memref<100000x128xf32, #tpu.memory_space<hbm>>
    %dma_start3A_335 = tpu.memref_slice %arg7[%dma_start3A_325] : memref<2x!tpu.dma_semaphore, #tpu.memory_space<semaphore_mem>> -> memref<1x!tpu.dma_semaphore, #tpu.memory_space<semaphore_mem>>
    %dma_start3A_336 = tpu.memref_squeeze %dma_start3A_335 : memref<1x!tpu.dma_semaphore, #tpu.memory_space<semaphore_mem>> -> memref<!tpu.dma_semaphore, #tpu.memory_space<semaphore_mem>>
    tpu.enqueue_indirect_dma source(%dma_start3A_334 : memref<100000x128xf32, #tpu.memory_space<hbm>>) target(%dma_start3A_329 : memref<256x128xf32, #tpu.memory_space<vmem>>) offsets(%dma_start3A_331 : memref<256xi32, #tpu.memory_space<vmem>>) semaphore(%dma_start3A_336 : memref<!tpu.dma_semaphore, #tpu.memory_space<semaphore_mem>>)
    %dma_wait3A_337 = arith.constant 1 : i32
    %dma_wait3A_338 = arith.constant 1 : i32
    %dma_wait3A_339 = arith.constant 0 : i32
    %dma_wait3A_340 = arith.constant 0 : i32
    %dma_wait3A_341 = tpu.memref_slice %arg6[%dma_wait3A_337, %dma_wait3A_339, %dma_wait3A_340] : memref<2x256x128xf32, #tpu.memory_space<vmem>> -> memref<1x256x128xf32, #tpu.memory_space<vmem>>
    %dma_wait3A_342 = tpu.memref_squeeze %dma_wait3A_341 : memref<1x256x128xf32, #tpu.memory_space<vmem>> -> memref<256x128xf32, #tpu.memory_space<vmem>>
    %dma_wait3A_343 = arith.constant 1280 : i32
    %dma_wait3A_344 = tpu.memref_slice %arg5[%dma_wait3A_343] : memref<3328xi32, #tpu.memory_space<vmem>> -> memref<256xi32, #tpu.memory_space<vmem>>
    %dma_wait3A_345 = arith.constant 0 : i32
    %dma_wait3A_346 = arith.constant 0 : i32
    %dma_wait3A_347 = tpu.memref_slice %arg3[%dma_wait3A_345, %dma_wait3A_346] : memref<100000x128xf32, #tpu.memory_space<hbm>> -> memref<100000x128xf32, #tpu.memory_space<hbm>>
    %dma_wait3A_348 = tpu.memref_slice %arg7[%dma_wait3A_338] : memref<2x!tpu.dma_semaphore, #tpu.memory_space<semaphore_mem>> -> memref<1x!tpu.dma_semaphore, #tpu.memory_space<semaphore_mem>>
    %dma_wait3A_349 = tpu.memref_squeeze %dma_wait3A_348 : memref<1x!tpu.dma_semaphore, #tpu.memory_space<semaphore_mem>> -> memref<!tpu.dma_semaphore, #tpu.memory_space<semaphore_mem>>
    tpu.wait_indirect_dma semaphore(%dma_wait3A_349 : memref<!tpu.dma_semaphore, #tpu.memory_space<semaphore_mem>>) src(%dma_wait3A_347 : memref<100000x128xf32, #tpu.memory_space<hbm>>) dst(%dma_wait3A_342 : memref<256x128xf32, #tpu.memory_space<vmem>>)
    %add3A_350 = arith.constant 1280 : i32
    %add3A_351 = arith.addi %mul3A_2, %add3A_350 : i32
    %dma_start3A_352 = arith.constant 1 : i32
    %dma_start3A_353 = arith.constant 1 : i32
    %dma_start3A_354 = arith.constant 0 : i32
    %dma_start3A_355 = arith.constant 0 : i32
    %dma_start3A_356 = tpu.memref_slice %arg6[%dma_start3A_352, %dma_start3A_354, %dma_start3A_355] : memref<2x256x128xf32, #tpu.memory_space<vmem>> -> memref<1x256x128xf32, #tpu.memory_space<vmem>>
    %dma_start3A_357 = tpu.memref_squeeze %dma_start3A_356 : memref<1x256x128xf32, #tpu.memory_space<vmem>> -> memref<256x128xf32, #tpu.memory_space<vmem>>
    %dma_start3A_358 = arith.constant 0 : i32
    %dma_start3A_359 = tpu.memref_slice %arg4[%add3A_351, %dma_start3A_358] : memref<106496x128xf32, #tpu.memory_space<hbm>> -> memref<256x128xf32, #tpu.memory_space<hbm>>
    %dma_start3A_360 = tpu.memref_slice %arg8[%dma_start3A_353] : memref<2x!tpu.dma_semaphore, #tpu.memory_space<semaphore_mem>> -> memref<1x!tpu.dma_semaphore, #tpu.memory_space<semaphore_mem>>
    %dma_start3A_361 = tpu.memref_squeeze %dma_start3A_360 : memref<1x!tpu.dma_semaphore, #tpu.memory_space<semaphore_mem>> -> memref<!tpu.dma_semaphore, #tpu.memory_space<semaphore_mem>>
    %dma_start3A_362 = arith.constant 0 : i32
    %dma_start3A_363 = tpu.memref_slice %arg4[%add3A_351, %dma_start3A_362] : memref<106496x128xf32, #tpu.memory_space<hbm>> -> memref<256x128xf32, #tpu.memory_space<hbm>>
    %dma_start3A_364 = arith.constant 0 : i32
    %dma_start3A_365 = arith.constant 0 : i32
    %dma_start3A_366 = tpu.memref_slice %arg6[%dma_start3A_352, %dma_start3A_364, %dma_start3A_365] : memref<2x256x128xf32, #tpu.memory_space<vmem>> -> memref<1x256x128xf32, #tpu.memory_space<vmem>>
    %dma_start3A_367 = tpu.memref_squeeze %dma_start3A_366 : memref<1x256x128xf32, #tpu.memory_space<vmem>> -> memref<256x128xf32, #tpu.memory_space<vmem>>
    tpu.enqueue_dma source(%dma_start3A_367 : memref<256x128xf32, #tpu.memory_space<vmem>>) target(%dma_start3A_363 : memref<256x128xf32, #tpu.memory_space<hbm>>) target_semaphore(%dma_start3A_361 : memref<!tpu.dma_semaphore, #tpu.memory_space<semaphore_mem>>)
    %add3A_368 = arith.constant 1280 : i32
    %add3A_369 = arith.addi %mul3A_2, %add3A_368 : i32
    %dma_wait3A_370 = arith.constant 1 : i32
    %dma_wait3A_371 = arith.constant 1 : i32
    %dma_wait3A_372 = arith.constant 0 : i32
    %dma_wait3A_373 = arith.constant 0 : i32
    %dma_wait3A_374 = tpu.memref_slice %arg6[%dma_wait3A_370, %dma_wait3A_372, %dma_wait3A_373] : memref<2x256x128xf32, #tpu.memory_space<vmem>> -> memref<1x256x128xf32, #tpu.memory_space<vmem>>
    %dma_wait3A_375 = tpu.memref_squeeze %dma_wait3A_374 : memref<1x256x128xf32, #tpu.memory_space<vmem>> -> memref<256x128xf32, #tpu.memory_space<vmem>>
    %dma_wait3A_376 = arith.constant 0 : i32
    %dma_wait3A_377 = tpu.memref_slice %arg4[%add3A_369, %dma_wait3A_376] : memref<106496x128xf32, #tpu.memory_space<hbm>> -> memref<256x128xf32, #tpu.memory_space<hbm>>
    %dma_wait3A_378 = tpu.memref_slice %arg8[%dma_wait3A_371] : memref<2x!tpu.dma_semaphore, #tpu.memory_space<semaphore_mem>> -> memref<1x!tpu.dma_semaphore, #tpu.memory_space<semaphore_mem>>
    %dma_wait3A_379 = tpu.memref_squeeze %dma_wait3A_378 : memref<1x!tpu.dma_semaphore, #tpu.memory_space<semaphore_mem>> -> memref<!tpu.dma_semaphore, #tpu.memory_space<semaphore_mem>>
    %dma_wait3A_380 = arith.constant 0 : i32
    %dma_wait3A_381 = tpu.memref_slice %arg4[%add3A_369, %dma_wait3A_380] : memref<106496x128xf32, #tpu.memory_space<hbm>> -> memref<256x128xf32, #tpu.memory_space<hbm>>
    %dma_wait3A_382 = arith.constant 0 : i32
    %dma_wait3A_383 = arith.constant 0 : i32
    %dma_wait3A_384 = tpu.memref_slice %arg6[%dma_wait3A_370, %dma_wait3A_382, %dma_wait3A_383] : memref<2x256x128xf32, #tpu.memory_space<vmem>> -> memref<1x256x128xf32, #tpu.memory_space<vmem>>
    %dma_wait3A_385 = tpu.memref_squeeze %dma_wait3A_384 : memref<1x256x128xf32, #tpu.memory_space<vmem>> -> memref<256x128xf32, #tpu.memory_space<vmem>>
    tpu.wait_dma2 semaphore(%dma_wait3A_379 : memref<!tpu.dma_semaphore, #tpu.memory_space<semaphore_mem>>) src(%dma_wait3A_385 : memref<256x128xf32, #tpu.memory_space<vmem>>) dst(%dma_wait3A_381 : memref<256x128xf32, #tpu.memory_space<hbm>>)
    %dma_start3A_386 = arith.constant 1 : i32
    %dma_start3A_387 = arith.constant 1 : i32
    %dma_start3A_388 = arith.constant 0 : i32
    %dma_start3A_389 = arith.constant 0 : i32
    %dma_start3A_390 = tpu.memref_slice %arg6[%dma_start3A_386, %dma_start3A_388, %dma_start3A_389] : memref<2x256x128xf32, #tpu.memory_space<vmem>> -> memref<1x256x128xf32, #tpu.memory_space<vmem>>
    %dma_start3A_391 = tpu.memref_squeeze %dma_start3A_390 : memref<1x256x128xf32, #tpu.memory_space<vmem>> -> memref<256x128xf32, #tpu.memory_space<vmem>>
    %dma_start3A_392 = arith.constant 1792 : i32
    %dma_start3A_393 = tpu.memref_slice %arg5[%dma_start3A_392] : memref<3328xi32, #tpu.memory_space<vmem>> -> memref<256xi32, #tpu.memory_space<vmem>>
    %dma_start3A_394 = arith.constant 0 : i32
    %dma_start3A_395 = arith.constant 0 : i32
    %dma_start3A_396 = tpu.memref_slice %arg3[%dma_start3A_394, %dma_start3A_395] : memref<100000x128xf32, #tpu.memory_space<hbm>> -> memref<100000x128xf32, #tpu.memory_space<hbm>>
    %dma_start3A_397 = tpu.memref_slice %arg7[%dma_start3A_387] : memref<2x!tpu.dma_semaphore, #tpu.memory_space<semaphore_mem>> -> memref<1x!tpu.dma_semaphore, #tpu.memory_space<semaphore_mem>>
    %dma_start3A_398 = tpu.memref_squeeze %dma_start3A_397 : memref<1x!tpu.dma_semaphore, #tpu.memory_space<semaphore_mem>> -> memref<!tpu.dma_semaphore, #tpu.memory_space<semaphore_mem>>
    tpu.enqueue_indirect_dma source(%dma_start3A_396 : memref<100000x128xf32, #tpu.memory_space<hbm>>) target(%dma_start3A_391 : memref<256x128xf32, #tpu.memory_space<vmem>>) offsets(%dma_start3A_393 : memref<256xi32, #tpu.memory_space<vmem>>) semaphore(%dma_start3A_398 : memref<!tpu.dma_semaphore, #tpu.memory_space<semaphore_mem>>)
    %dma_wait3A_399 = arith.constant 0 : i32
    %dma_wait3A_400 = arith.constant 0 : i32
    %dma_wait3A_401 = arith.constant 0 : i32
    %dma_wait3A_402 = arith.constant 0 : i32
    %dma_wait3A_403 = tpu.memref_slice %arg6[%dma_wait3A_399, %dma_wait3A_401, %dma_wait3A_402] : memref<2x256x128xf32, #tpu.memory_space<vmem>> -> memref<1x256x128xf32, #tpu.memory_space<vmem>>
    %dma_wait3A_404 = tpu.memref_squeeze %dma_wait3A_403 : memref<1x256x128xf32, #tpu.memory_space<vmem>> -> memref<256x128xf32, #tpu.memory_space<vmem>>
    %dma_wait3A_405 = arith.constant 1536 : i32
    %dma_wait3A_406 = tpu.memref_slice %arg5[%dma_wait3A_405] : memref<3328xi32, #tpu.memory_space<vmem>> -> memref<256xi32, #tpu.memory_space<vmem>>
    %dma_wait3A_407 = arith.constant 0 : i32
    %dma_wait3A_408 = arith.constant 0 : i32
    %dma_wait3A_409 = tpu.memref_slice %arg3[%dma_wait3A_407, %dma_wait3A_408] : memref<100000x128xf32, #tpu.memory_space<hbm>> -> memref<100000x128xf32, #tpu.memory_space<hbm>>
    %dma_wait3A_410 = tpu.memref_slice %arg7[%dma_wait3A_400] : memref<2x!tpu.dma_semaphore, #tpu.memory_space<semaphore_mem>> -> memref<1x!tpu.dma_semaphore, #tpu.memory_space<semaphore_mem>>
    %dma_wait3A_411 = tpu.memref_squeeze %dma_wait3A_410 : memref<1x!tpu.dma_semaphore, #tpu.memory_space<semaphore_mem>> -> memref<!tpu.dma_semaphore, #tpu.memory_space<semaphore_mem>>
    tpu.wait_indirect_dma semaphore(%dma_wait3A_411 : memref<!tpu.dma_semaphore, #tpu.memory_space<semaphore_mem>>) src(%dma_wait3A_409 : memref<100000x128xf32, #tpu.memory_space<hbm>>) dst(%dma_wait3A_404 : memref<256x128xf32, #tpu.memory_space<vmem>>)
    %add3A_412 = arith.constant 1536 : i32
    %add3A_413 = arith.addi %mul3A_2, %add3A_412 : i32
    %dma_start3A_414 = arith.constant 0 : i32
    %dma_start3A_415 = arith.constant 0 : i32
    %dma_start3A_416 = arith.constant 0 : i32
    %dma_start3A_417 = arith.constant 0 : i32
    %dma_start3A_418 = tpu.memref_slice %arg6[%dma_start3A_414, %dma_start3A_416, %dma_start3A_417] : memref<2x256x128xf32, #tpu.memory_space<vmem>> -> memref<1x256x128xf32, #tpu.memory_space<vmem>>
    %dma_start3A_419 = tpu.memref_squeeze %dma_start3A_418 : memref<1x256x128xf32, #tpu.memory_space<vmem>> -> memref<256x128xf32, #tpu.memory_space<vmem>>
    %dma_start3A_420 = arith.constant 0 : i32
    %dma_start3A_421 = tpu.memref_slice %arg4[%add3A_413, %dma_start3A_420] : memref<106496x128xf32, #tpu.memory_space<hbm>> -> memref<256x128xf32, #tpu.memory_space<hbm>>
    %dma_start3A_422 = tpu.memref_slice %arg8[%dma_start3A_415] : memref<2x!tpu.dma_semaphore, #tpu.memory_space<semaphore_mem>> -> memref<1x!tpu.dma_semaphore, #tpu.memory_space<semaphore_mem>>
    %dma_start3A_423 = tpu.memref_squeeze %dma_start3A_422 : memref<1x!tpu.dma_semaphore, #tpu.memory_space<semaphore_mem>> -> memref<!tpu.dma_semaphore, #tpu.memory_space<semaphore_mem>>
    %dma_start3A_424 = arith.constant 0 : i32
    %dma_start3A_425 = tpu.memref_slice %arg4[%add3A_413, %dma_start3A_424] : memref<106496x128xf32, #tpu.memory_space<hbm>> -> memref<256x128xf32, #tpu.memory_space<hbm>>
    %dma_start3A_426 = arith.constant 0 : i32
    %dma_start3A_427 = arith.constant 0 : i32
    %dma_start3A_428 = tpu.memref_slice %arg6[%dma_start3A_414, %dma_start3A_426, %dma_start3A_427] : memref<2x256x128xf32, #tpu.memory_space<vmem>> -> memref<1x256x128xf32, #tpu.memory_space<vmem>>
    %dma_start3A_429 = tpu.memref_squeeze %dma_start3A_428 : memref<1x256x128xf32, #tpu.memory_space<vmem>> -> memref<256x128xf32, #tpu.memory_space<vmem>>
    tpu.enqueue_dma source(%dma_start3A_429 : memref<256x128xf32, #tpu.memory_space<vmem>>) target(%dma_start3A_425 : memref<256x128xf32, #tpu.memory_space<hbm>>) target_semaphore(%dma_start3A_423 : memref<!tpu.dma_semaphore, #tpu.memory_space<semaphore_mem>>)
    %add3A_430 = arith.constant 1536 : i32
    %add3A_431 = arith.addi %mul3A_2, %add3A_430 : i32
    %dma_wait3A_432 = arith.constant 0 : i32
    %dma_wait3A_433 = arith.constant 0 : i32
    %dma_wait3A_434 = arith.constant 0 : i32
    %dma_wait3A_435 = arith.constant 0 : i32
    %dma_wait3A_436 = tpu.memref_slice %arg6[%dma_wait3A_432, %dma_wait3A_434, %dma_wait3A_435] : memref<2x256x128xf32, #tpu.memory_space<vmem>> -> memref<1x256x128xf32, #tpu.memory_space<vmem>>
    %dma_wait3A_437 = tpu.memref_squeeze %dma_wait3A_436 : memref<1x256x128xf32, #tpu.memory_space<vmem>> -> memref<256x128xf32, #tpu.memory_space<vmem>>
    %dma_wait3A_438 = arith.constant 0 : i32
    %dma_wait3A_439 = tpu.memref_slice %arg4[%add3A_431, %dma_wait3A_438] : memref<106496x128xf32, #tpu.memory_space<hbm>> -> memref<256x128xf32, #tpu.memory_space<hbm>>
    %dma_wait3A_440 = tpu.memref_slice %arg8[%dma_wait3A_433] : memref<2x!tpu.dma_semaphore, #tpu.memory_space<semaphore_mem>> -> memref<1x!tpu.dma_semaphore, #tpu.memory_space<semaphore_mem>>
    %dma_wait3A_441 = tpu.memref_squeeze %dma_wait3A_440 : memref<1x!tpu.dma_semaphore, #tpu.memory_space<semaphore_mem>> -> memref<!tpu.dma_semaphore, #tpu.memory_space<semaphore_mem>>
    %dma_wait3A_442 = arith.constant 0 : i32
    %dma_wait3A_443 = tpu.memref_slice %arg4[%add3A_431, %dma_wait3A_442] : memref<106496x128xf32, #tpu.memory_space<hbm>> -> memref<256x128xf32, #tpu.memory_space<hbm>>
    %dma_wait3A_444 = arith.constant 0 : i32
    %dma_wait3A_445 = arith.constant 0 : i32
    %dma_wait3A_446 = tpu.memref_slice %arg6[%dma_wait3A_432, %dma_wait3A_444, %dma_wait3A_445] : memref<2x256x128xf32, #tpu.memory_space<vmem>> -> memref<1x256x128xf32, #tpu.memory_space<vmem>>
    %dma_wait3A_447 = tpu.memref_squeeze %dma_wait3A_446 : memref<1x256x128xf32, #tpu.memory_space<vmem>> -> memref<256x128xf32, #tpu.memory_space<vmem>>
    tpu.wait_dma2 semaphore(%dma_wait3A_441 : memref<!tpu.dma_semaphore, #tpu.memory_space<semaphore_mem>>) src(%dma_wait3A_447 : memref<256x128xf32, #tpu.memory_space<vmem>>) dst(%dma_wait3A_443 : memref<256x128xf32, #tpu.memory_space<hbm>>)
    %dma_start3A_448 = arith.constant 0 : i32
    %dma_start3A_449 = arith.constant 0 : i32
    %dma_start3A_450 = arith.constant 0 : i32
    %dma_start3A_451 = arith.constant 0 : i32
    %dma_start3A_452 = tpu.memref_slice %arg6[%dma_start3A_448, %dma_start3A_450, %dma_start3A_451] : memref<2x256x128xf32, #tpu.memory_space<vmem>> -> memref<1x256x128xf32, #tpu.memory_space<vmem>>
    %dma_start3A_453 = tpu.memref_squeeze %dma_start3A_452 : memref<1x256x128xf32, #tpu.memory_space<vmem>> -> memref<256x128xf32, #tpu.memory_space<vmem>>
    %dma_start3A_454 = arith.constant 2048 : i32
    %dma_start3A_455 = tpu.memref_slice %arg5[%dma_start3A_454] : memref<3328xi32, #tpu.memory_space<vmem>> -> memref<256xi32, #tpu.memory_space<vmem>>
    %dma_start3A_456 = arith.constant 0 : i32
    %dma_start3A_457 = arith.constant 0 : i32
    %dma_start3A_458 = tpu.memref_slice %arg3[%dma_start3A_456, %dma_start3A_457] : memref<100000x128xf32, #tpu.memory_space<hbm>> -> memref<100000x128xf32, #tpu.memory_space<hbm>>
    %dma_start3A_459 = tpu.memref_slice %arg7[%dma_start3A_449] : memref<2x!tpu.dma_semaphore, #tpu.memory_space<semaphore_mem>> -> memref<1x!tpu.dma_semaphore, #tpu.memory_space<semaphore_mem>>
    %dma_start3A_460 = tpu.memref_squeeze %dma_start3A_459 : memref<1x!tpu.dma_semaphore, #tpu.memory_space<semaphore_mem>> -> memref<!tpu.dma_semaphore, #tpu.memory_space<semaphore_mem>>
    tpu.enqueue_indirect_dma source(%dma_start3A_458 : memref<100000x128xf32, #tpu.memory_space<hbm>>) target(%dma_start3A_453 : memref<256x128xf32, #tpu.memory_space<vmem>>) offsets(%dma_start3A_455 : memref<256xi32, #tpu.memory_space<vmem>>) semaphore(%dma_start3A_460 : memref<!tpu.dma_semaphore, #tpu.memory_space<semaphore_mem>>)
    %dma_wait3A_461 = arith.constant 1 : i32
    %dma_wait3A_462 = arith.constant 1 : i32
    %dma_wait3A_463 = arith.constant 0 : i32
    %dma_wait3A_464 = arith.constant 0 : i32
    %dma_wait3A_465 = tpu.memref_slice %arg6[%dma_wait3A_461, %dma_wait3A_463, %dma_wait3A_464] : memref<2x256x128xf32, #tpu.memory_space<vmem>> -> memref<1x256x128xf32, #tpu.memory_space<vmem>>
    %dma_wait3A_466 = tpu.memref_squeeze %dma_wait3A_465 : memref<1x256x128xf32, #tpu.memory_space<vmem>> -> memref<256x128xf32, #tpu.memory_space<vmem>>
    %dma_wait3A_467 = arith.constant 1792 : i32
    %dma_wait3A_468 = tpu.memref_slice %arg5[%dma_wait3A_467] : memref<3328xi32, #tpu.memory_space<vmem>> -> memref<256xi32, #tpu.memory_space<vmem>>
    %dma_wait3A_469 = arith.constant 0 : i32
    %dma_wait3A_470 = arith.constant 0 : i32
    %dma_wait3A_471 = tpu.memref_slice %arg3[%dma_wait3A_469, %dma_wait3A_470] : memref<100000x128xf32, #tpu.memory_space<hbm>> -> memref<100000x128xf32, #tpu.memory_space<hbm>>
    %dma_wait3A_472 = tpu.memref_slice %arg7[%dma_wait3A_462] : memref<2x!tpu.dma_semaphore, #tpu.memory_space<semaphore_mem>> -> memref<1x!tpu.dma_semaphore, #tpu.memory_space<semaphore_mem>>
    %dma_wait3A_473 = tpu.memref_squeeze %dma_wait3A_472 : memref<1x!tpu.dma_semaphore, #tpu.memory_space<semaphore_mem>> -> memref<!tpu.dma_semaphore, #tpu.memory_space<semaphore_mem>>
    tpu.wait_indirect_dma semaphore(%dma_wait3A_473 : memref<!tpu.dma_semaphore, #tpu.memory_space<semaphore_mem>>) src(%dma_wait3A_471 : memref<100000x128xf32, #tpu.memory_space<hbm>>) dst(%dma_wait3A_466 : memref<256x128xf32, #tpu.memory_space<vmem>>)
    %add3A_474 = arith.constant 1792 : i32
    %add3A_475 = arith.addi %mul3A_2, %add3A_474 : i32
    %dma_start3A_476 = arith.constant 1 : i32
    %dma_start3A_477 = arith.constant 1 : i32
    %dma_start3A_478 = arith.constant 0 : i32
    %dma_start3A_479 = arith.constant 0 : i32
    %dma_start3A_480 = tpu.memref_slice %arg6[%dma_start3A_476, %dma_start3A_478, %dma_start3A_479] : memref<2x256x128xf32, #tpu.memory_space<vmem>> -> memref<1x256x128xf32, #tpu.memory_space<vmem>>
    %dma_start3A_481 = tpu.memref_squeeze %dma_start3A_480 : memref<1x256x128xf32, #tpu.memory_space<vmem>> -> memref<256x128xf32, #tpu.memory_space<vmem>>
    %dma_start3A_482 = arith.constant 0 : i32
    %dma_start3A_483 = tpu.memref_slice %arg4[%add3A_475, %dma_start3A_482] : memref<106496x128xf32, #tpu.memory_space<hbm>> -> memref<256x128xf32, #tpu.memory_space<hbm>>
    %dma_start3A_484 = tpu.memref_slice %arg8[%dma_start3A_477] : memref<2x!tpu.dma_semaphore, #tpu.memory_space<semaphore_mem>> -> memref<1x!tpu.dma_semaphore, #tpu.memory_space<semaphore_mem>>
    %dma_start3A_485 = tpu.memref_squeeze %dma_start3A_484 : memref<1x!tpu.dma_semaphore, #tpu.memory_space<semaphore_mem>> -> memref<!tpu.dma_semaphore, #tpu.memory_space<semaphore_mem>>
    %dma_start3A_486 = arith.constant 0 : i32
    %dma_start3A_487 = tpu.memref_slice %arg4[%add3A_475, %dma_start3A_486] : memref<106496x128xf32, #tpu.memory_space<hbm>> -> memref<256x128xf32, #tpu.memory_space<hbm>>
    %dma_start3A_488 = arith.constant 0 : i32
    %dma_start3A_489 = arith.constant 0 : i32
    %dma_start3A_490 = tpu.memref_slice %arg6[%dma_start3A_476, %dma_start3A_488, %dma_start3A_489] : memref<2x256x128xf32, #tpu.memory_space<vmem>> -> memref<1x256x128xf32, #tpu.memory_space<vmem>>
    %dma_start3A_491 = tpu.memref_squeeze %dma_start3A_490 : memref<1x256x128xf32, #tpu.memory_space<vmem>> -> memref<256x128xf32, #tpu.memory_space<vmem>>
    tpu.enqueue_dma source(%dma_start3A_491 : memref<256x128xf32, #tpu.memory_space<vmem>>) target(%dma_start3A_487 : memref<256x128xf32, #tpu.memory_space<hbm>>) target_semaphore(%dma_start3A_485 : memref<!tpu.dma_semaphore, #tpu.memory_space<semaphore_mem>>)
    %add3A_492 = arith.constant 1792 : i32
    %add3A_493 = arith.addi %mul3A_2, %add3A_492 : i32
    %dma_wait3A_494 = arith.constant 1 : i32
    %dma_wait3A_495 = arith.constant 1 : i32
    %dma_wait3A_496 = arith.constant 0 : i32
    %dma_wait3A_497 = arith.constant 0 : i32
    %dma_wait3A_498 = tpu.memref_slice %arg6[%dma_wait3A_494, %dma_wait3A_496, %dma_wait3A_497] : memref<2x256x128xf32, #tpu.memory_space<vmem>> -> memref<1x256x128xf32, #tpu.memory_space<vmem>>
    %dma_wait3A_499 = tpu.memref_squeeze %dma_wait3A_498 : memref<1x256x128xf32, #tpu.memory_space<vmem>> -> memref<256x128xf32, #tpu.memory_space<vmem>>
    %dma_wait3A_500 = arith.constant 0 : i32
    %dma_wait3A_501 = tpu.memref_slice %arg4[%add3A_493, %dma_wait3A_500] : memref<106496x128xf32, #tpu.memory_space<hbm>> -> memref<256x128xf32, #tpu.memory_space<hbm>>
    %dma_wait3A_502 = tpu.memref_slice %arg8[%dma_wait3A_495] : memref<2x!tpu.dma_semaphore, #tpu.memory_space<semaphore_mem>> -> memref<1x!tpu.dma_semaphore, #tpu.memory_space<semaphore_mem>>
    %dma_wait3A_503 = tpu.memref_squeeze %dma_wait3A_502 : memref<1x!tpu.dma_semaphore, #tpu.memory_space<semaphore_mem>> -> memref<!tpu.dma_semaphore, #tpu.memory_space<semaphore_mem>>
    %dma_wait3A_504 = arith.constant 0 : i32
    %dma_wait3A_505 = tpu.memref_slice %arg4[%add3A_493, %dma_wait3A_504] : memref<106496x128xf32, #tpu.memory_space<hbm>> -> memref<256x128xf32, #tpu.memory_space<hbm>>
    %dma_wait3A_506 = arith.constant 0 : i32
    %dma_wait3A_507 = arith.constant 0 : i32
    %dma_wait3A_508 = tpu.memref_slice %arg6[%dma_wait3A_494, %dma_wait3A_506, %dma_wait3A_507] : memref<2x256x128xf32, #tpu.memory_space<vmem>> -> memref<1x256x128xf32, #tpu.memory_space<vmem>>
    %dma_wait3A_509 = tpu.memref_squeeze %dma_wait3A_508 : memref<1x256x128xf32, #tpu.memory_space<vmem>> -> memref<256x128xf32, #tpu.memory_space<vmem>>
    tpu.wait_dma2 semaphore(%dma_wait3A_503 : memref<!tpu.dma_semaphore, #tpu.memory_space<semaphore_mem>>) src(%dma_wait3A_509 : memref<256x128xf32, #tpu.memory_space<vmem>>) dst(%dma_wait3A_505 : memref<256x128xf32, #tpu.memory_space<hbm>>)
    %dma_start3A_510 = arith.constant 1 : i32
    %dma_start3A_511 = arith.constant 1 : i32
    %dma_start3A_512 = arith.constant 0 : i32
    %dma_start3A_513 = arith.constant 0 : i32
    %dma_start3A_514 = tpu.memref_slice %arg6[%dma_start3A_510, %dma_start3A_512, %dma_start3A_513] : memref<2x256x128xf32, #tpu.memory_space<vmem>> -> memref<1x256x128xf32, #tpu.memory_space<vmem>>
    %dma_start3A_515 = tpu.memref_squeeze %dma_start3A_514 : memref<1x256x128xf32, #tpu.memory_space<vmem>> -> memref<256x128xf32, #tpu.memory_space<vmem>>
    %dma_start3A_516 = arith.constant 2304 : i32
    %dma_start3A_517 = tpu.memref_slice %arg5[%dma_start3A_516] : memref<3328xi32, #tpu.memory_space<vmem>> -> memref<256xi32, #tpu.memory_space<vmem>>
    %dma_start3A_518 = arith.constant 0 : i32
    %dma_start3A_519 = arith.constant 0 : i32
    %dma_start3A_520 = tpu.memref_slice %arg3[%dma_start3A_518, %dma_start3A_519] : memref<100000x128xf32, #tpu.memory_space<hbm>> -> memref<100000x128xf32, #tpu.memory_space<hbm>>
    %dma_start3A_521 = tpu.memref_slice %arg7[%dma_start3A_511] : memref<2x!tpu.dma_semaphore, #tpu.memory_space<semaphore_mem>> -> memref<1x!tpu.dma_semaphore, #tpu.memory_space<semaphore_mem>>
    %dma_start3A_522 = tpu.memref_squeeze %dma_start3A_521 : memref<1x!tpu.dma_semaphore, #tpu.memory_space<semaphore_mem>> -> memref<!tpu.dma_semaphore, #tpu.memory_space<semaphore_mem>>
    tpu.enqueue_indirect_dma source(%dma_start3A_520 : memref<100000x128xf32, #tpu.memory_space<hbm>>) target(%dma_start3A_515 : memref<256x128xf32, #tpu.memory_space<vmem>>) offsets(%dma_start3A_517 : memref<256xi32, #tpu.memory_space<vmem>>) semaphore(%dma_start3A_522 : memref<!tpu.dma_semaphore, #tpu.memory_space<semaphore_mem>>)
    %dma_wait3A_523 = arith.constant 0 : i32
    %dma_wait3A_524 = arith.constant 0 : i32
    %dma_wait3A_525 = arith.constant 0 : i32
    %dma_wait3A_526 = arith.constant 0 : i32
    %dma_wait3A_527 = tpu.memref_slice %arg6[%dma_wait3A_523, %dma_wait3A_525, %dma_wait3A_526] : memref<2x256x128xf32, #tpu.memory_space<vmem>> -> memref<1x256x128xf32, #tpu.memory_space<vmem>>
    %dma_wait3A_528 = tpu.memref_squeeze %dma_wait3A_527 : memref<1x256x128xf32, #tpu.memory_space<vmem>> -> memref<256x128xf32, #tpu.memory_space<vmem>>
    %dma_wait3A_529 = arith.constant 2048 : i32
    %dma_wait3A_530 = tpu.memref_slice %arg5[%dma_wait3A_529] : memref<3328xi32, #tpu.memory_space<vmem>> -> memref<256xi32, #tpu.memory_space<vmem>>
    %dma_wait3A_531 = arith.constant 0 : i32
    %dma_wait3A_532 = arith.constant 0 : i32
    %dma_wait3A_533 = tpu.memref_slice %arg3[%dma_wait3A_531, %dma_wait3A_532] : memref<100000x128xf32, #tpu.memory_space<hbm>> -> memref<100000x128xf32, #tpu.memory_space<hbm>>
    %dma_wait3A_534 = tpu.memref_slice %arg7[%dma_wait3A_524] : memref<2x!tpu.dma_semaphore, #tpu.memory_space<semaphore_mem>> -> memref<1x!tpu.dma_semaphore, #tpu.memory_space<semaphore_mem>>
    %dma_wait3A_535 = tpu.memref_squeeze %dma_wait3A_534 : memref<1x!tpu.dma_semaphore, #tpu.memory_space<semaphore_mem>> -> memref<!tpu.dma_semaphore, #tpu.memory_space<semaphore_mem>>
    tpu.wait_indirect_dma semaphore(%dma_wait3A_535 : memref<!tpu.dma_semaphore, #tpu.memory_space<semaphore_mem>>) src(%dma_wait3A_533 : memref<100000x128xf32, #tpu.memory_space<hbm>>) dst(%dma_wait3A_528 : memref<256x128xf32, #tpu.memory_space<vmem>>)
    %add3A_536 = arith.constant 2048 : i32
    %add3A_537 = arith.addi %mul3A_2, %add3A_536 : i32
    %dma_start3A_538 = arith.constant 0 : i32
    %dma_start3A_539 = arith.constant 0 : i32
    %dma_start3A_540 = arith.constant 0 : i32
    %dma_start3A_541 = arith.constant 0 : i32
    %dma_start3A_542 = tpu.memref_slice %arg6[%dma_start3A_538, %dma_start3A_540, %dma_start3A_541] : memref<2x256x128xf32, #tpu.memory_space<vmem>> -> memref<1x256x128xf32, #tpu.memory_space<vmem>>
    %dma_start3A_543 = tpu.memref_squeeze %dma_start3A_542 : memref<1x256x128xf32, #tpu.memory_space<vmem>> -> memref<256x128xf32, #tpu.memory_space<vmem>>
    %dma_start3A_544 = arith.constant 0 : i32
    %dma_start3A_545 = tpu.memref_slice %arg4[%add3A_537, %dma_start3A_544] : memref<106496x128xf32, #tpu.memory_space<hbm>> -> memref<256x128xf32, #tpu.memory_space<hbm>>
    %dma_start3A_546 = tpu.memref_slice %arg8[%dma_start3A_539] : memref<2x!tpu.dma_semaphore, #tpu.memory_space<semaphore_mem>> -> memref<1x!tpu.dma_semaphore, #tpu.memory_space<semaphore_mem>>
    %dma_start3A_547 = tpu.memref_squeeze %dma_start3A_546 : memref<1x!tpu.dma_semaphore, #tpu.memory_space<semaphore_mem>> -> memref<!tpu.dma_semaphore, #tpu.memory_space<semaphore_mem>>
    %dma_start3A_548 = arith.constant 0 : i32
    %dma_start3A_549 = tpu.memref_slice %arg4[%add3A_537, %dma_start3A_548] : memref<106496x128xf32, #tpu.memory_space<hbm>> -> memref<256x128xf32, #tpu.memory_space<hbm>>
    %dma_start3A_550 = arith.constant 0 : i32
    %dma_start3A_551 = arith.constant 0 : i32
    %dma_start3A_552 = tpu.memref_slice %arg6[%dma_start3A_538, %dma_start3A_550, %dma_start3A_551] : memref<2x256x128xf32, #tpu.memory_space<vmem>> -> memref<1x256x128xf32, #tpu.memory_space<vmem>>
    %dma_start3A_553 = tpu.memref_squeeze %dma_start3A_552 : memref<1x256x128xf32, #tpu.memory_space<vmem>> -> memref<256x128xf32, #tpu.memory_space<vmem>>
    tpu.enqueue_dma source(%dma_start3A_553 : memref<256x128xf32, #tpu.memory_space<vmem>>) target(%dma_start3A_549 : memref<256x128xf32, #tpu.memory_space<hbm>>) target_semaphore(%dma_start3A_547 : memref<!tpu.dma_semaphore, #tpu.memory_space<semaphore_mem>>)
    %add3A_554 = arith.constant 2048 : i32
    %add3A_555 = arith.addi %mul3A_2, %add3A_554 : i32
    %dma_wait3A_556 = arith.constant 0 : i32
    %dma_wait3A_557 = arith.constant 0 : i32
    %dma_wait3A_558 = arith.constant 0 : i32
    %dma_wait3A_559 = arith.constant 0 : i32
    %dma_wait3A_560 = tpu.memref_slice %arg6[%dma_wait3A_556, %dma_wait3A_558, %dma_wait3A_559] : memref<2x256x128xf32, #tpu.memory_space<vmem>> -> memref<1x256x128xf32, #tpu.memory_space<vmem>>
    %dma_wait3A_561 = tpu.memref_squeeze %dma_wait3A_560 : memref<1x256x128xf32, #tpu.memory_space<vmem>> -> memref<256x128xf32, #tpu.memory_space<vmem>>
    %dma_wait3A_562 = arith.constant 0 : i32
    %dma_wait3A_563 = tpu.memref_slice %arg4[%add3A_555, %dma_wait3A_562] : memref<106496x128xf32, #tpu.memory_space<hbm>> -> memref<256x128xf32, #tpu.memory_space<hbm>>
    %dma_wait3A_564 = tpu.memref_slice %arg8[%dma_wait3A_557] : memref<2x!tpu.dma_semaphore, #tpu.memory_space<semaphore_mem>> -> memref<1x!tpu.dma_semaphore, #tpu.memory_space<semaphore_mem>>
    %dma_wait3A_565 = tpu.memref_squeeze %dma_wait3A_564 : memref<1x!tpu.dma_semaphore, #tpu.memory_space<semaphore_mem>> -> memref<!tpu.dma_semaphore, #tpu.memory_space<semaphore_mem>>
    %dma_wait3A_566 = arith.constant 0 : i32
    %dma_wait3A_567 = tpu.memref_slice %arg4[%add3A_555, %dma_wait3A_566] : memref<106496x128xf32, #tpu.memory_space<hbm>> -> memref<256x128xf32, #tpu.memory_space<hbm>>
    %dma_wait3A_568 = arith.constant 0 : i32
    %dma_wait3A_569 = arith.constant 0 : i32
    %dma_wait3A_570 = tpu.memref_slice %arg6[%dma_wait3A_556, %dma_wait3A_568, %dma_wait3A_569] : memref<2x256x128xf32, #tpu.memory_space<vmem>> -> memref<1x256x128xf32, #tpu.memory_space<vmem>>
    %dma_wait3A_571 = tpu.memref_squeeze %dma_wait3A_570 : memref<1x256x128xf32, #tpu.memory_space<vmem>> -> memref<256x128xf32, #tpu.memory_space<vmem>>
    tpu.wait_dma2 semaphore(%dma_wait3A_565 : memref<!tpu.dma_semaphore, #tpu.memory_space<semaphore_mem>>) src(%dma_wait3A_571 : memref<256x128xf32, #tpu.memory_space<vmem>>) dst(%dma_wait3A_567 : memref<256x128xf32, #tpu.memory_space<hbm>>)
    %dma_start3A_572 = arith.constant 0 : i32
    %dma_start3A_573 = arith.constant 0 : i32
    %dma_start3A_574 = arith.constant 0 : i32
    %dma_start3A_575 = arith.constant 0 : i32
    %dma_start3A_576 = tpu.memref_slice %arg6[%dma_start3A_572, %dma_start3A_574, %dma_start3A_575] : memref<2x256x128xf32, #tpu.memory_space<vmem>> -> memref<1x256x128xf32, #tpu.memory_space<vmem>>
    %dma_start3A_577 = tpu.memref_squeeze %dma_start3A_576 : memref<1x256x128xf32, #tpu.memory_space<vmem>> -> memref<256x128xf32, #tpu.memory_space<vmem>>
    %dma_start3A_578 = arith.constant 2560 : i32
    %dma_start3A_579 = tpu.memref_slice %arg5[%dma_start3A_578] : memref<3328xi32, #tpu.memory_space<vmem>> -> memref<256xi32, #tpu.memory_space<vmem>>
    %dma_start3A_580 = arith.constant 0 : i32
    %dma_start3A_581 = arith.constant 0 : i32
    %dma_start3A_582 = tpu.memref_slice %arg3[%dma_start3A_580, %dma_start3A_581] : memref<100000x128xf32, #tpu.memory_space<hbm>> -> memref<100000x128xf32, #tpu.memory_space<hbm>>
    %dma_start3A_583 = tpu.memref_slice %arg7[%dma_start3A_573] : memref<2x!tpu.dma_semaphore, #tpu.memory_space<semaphore_mem>> -> memref<1x!tpu.dma_semaphore, #tpu.memory_space<semaphore_mem>>
    %dma_start3A_584 = tpu.memref_squeeze %dma_start3A_583 : memref<1x!tpu.dma_semaphore, #tpu.memory_space<semaphore_mem>> -> memref<!tpu.dma_semaphore, #tpu.memory_space<semaphore_mem>>
    tpu.enqueue_indirect_dma source(%dma_start3A_582 : memref<100000x128xf32, #tpu.memory_space<hbm>>) target(%dma_start3A_577 : memref<256x128xf32, #tpu.memory_space<vmem>>) offsets(%dma_start3A_579 : memref<256xi32, #tpu.memory_space<vmem>>) semaphore(%dma_start3A_584 : memref<!tpu.dma_semaphore, #tpu.memory_space<semaphore_mem>>)
    %dma_wait3A_585 = arith.constant 1 : i32
    %dma_wait3A_586 = arith.constant 1 : i32
    %dma_wait3A_587 = arith.constant 0 : i32
    %dma_wait3A_588 = arith.constant 0 : i32
    %dma_wait3A_589 = tpu.memref_slice %arg6[%dma_wait3A_585, %dma_wait3A_587, %dma_wait3A_588] : memref<2x256x128xf32, #tpu.memory_space<vmem>> -> memref<1x256x128xf32, #tpu.memory_space<vmem>>
    %dma_wait3A_590 = tpu.memref_squeeze %dma_wait3A_589 : memref<1x256x128xf32, #tpu.memory_space<vmem>> -> memref<256x128xf32, #tpu.memory_space<vmem>>
    %dma_wait3A_591 = arith.constant 2304 : i32
    %dma_wait3A_592 = tpu.memref_slice %arg5[%dma_wait3A_591] : memref<3328xi32, #tpu.memory_space<vmem>> -> memref<256xi32, #tpu.memory_space<vmem>>
    %dma_wait3A_593 = arith.constant 0 : i32
    %dma_wait3A_594 = arith.constant 0 : i32
    %dma_wait3A_595 = tpu.memref_slice %arg3[%dma_wait3A_593, %dma_wait3A_594] : memref<100000x128xf32, #tpu.memory_space<hbm>> -> memref<100000x128xf32, #tpu.memory_space<hbm>>
    %dma_wait3A_596 = tpu.memref_slice %arg7[%dma_wait3A_586] : memref<2x!tpu.dma_semaphore, #tpu.memory_space<semaphore_mem>> -> memref<1x!tpu.dma_semaphore, #tpu.memory_space<semaphore_mem>>
    %dma_wait3A_597 = tpu.memref_squeeze %dma_wait3A_596 : memref<1x!tpu.dma_semaphore, #tpu.memory_space<semaphore_mem>> -> memref<!tpu.dma_semaphore, #tpu.memory_space<semaphore_mem>>
    tpu.wait_indirect_dma semaphore(%dma_wait3A_597 : memref<!tpu.dma_semaphore, #tpu.memory_space<semaphore_mem>>) src(%dma_wait3A_595 : memref<100000x128xf32, #tpu.memory_space<hbm>>) dst(%dma_wait3A_590 : memref<256x128xf32, #tpu.memory_space<vmem>>)
    %add3A_598 = arith.constant 2304 : i32
    %add3A_599 = arith.addi %mul3A_2, %add3A_598 : i32
    %dma_start3A_600 = arith.constant 1 : i32
    %dma_start3A_601 = arith.constant 1 : i32
    %dma_start3A_602 = arith.constant 0 : i32
    %dma_start3A_603 = arith.constant 0 : i32
    %dma_start3A_604 = tpu.memref_slice %arg6[%dma_start3A_600, %dma_start3A_602, %dma_start3A_603] : memref<2x256x128xf32, #tpu.memory_space<vmem>> -> memref<1x256x128xf32, #tpu.memory_space<vmem>>
    %dma_start3A_605 = tpu.memref_squeeze %dma_start3A_604 : memref<1x256x128xf32, #tpu.memory_space<vmem>> -> memref<256x128xf32, #tpu.memory_space<vmem>>
    %dma_start3A_606 = arith.constant 0 : i32
    %dma_start3A_607 = tpu.memref_slice %arg4[%add3A_599, %dma_start3A_606] : memref<106496x128xf32, #tpu.memory_space<hbm>> -> memref<256x128xf32, #tpu.memory_space<hbm>>
    %dma_start3A_608 = tpu.memref_slice %arg8[%dma_start3A_601] : memref<2x!tpu.dma_semaphore, #tpu.memory_space<semaphore_mem>> -> memref<1x!tpu.dma_semaphore, #tpu.memory_space<semaphore_mem>>
    %dma_start3A_609 = tpu.memref_squeeze %dma_start3A_608 : memref<1x!tpu.dma_semaphore, #tpu.memory_space<semaphore_mem>> -> memref<!tpu.dma_semaphore, #tpu.memory_space<semaphore_mem>>
    %dma_start3A_610 = arith.constant 0 : i32
    %dma_start3A_611 = tpu.memref_slice %arg4[%add3A_599, %dma_start3A_610] : memref<106496x128xf32, #tpu.memory_space<hbm>> -> memref<256x128xf32, #tpu.memory_space<hbm>>
    %dma_start3A_612 = arith.constant 0 : i32
    %dma_start3A_613 = arith.constant 0 : i32
    %dma_start3A_614 = tpu.memref_slice %arg6[%dma_start3A_600, %dma_start3A_612, %dma_start3A_613] : memref<2x256x128xf32, #tpu.memory_space<vmem>> -> memref<1x256x128xf32, #tpu.memory_space<vmem>>
    %dma_start3A_615 = tpu.memref_squeeze %dma_start3A_614 : memref<1x256x128xf32, #tpu.memory_space<vmem>> -> memref<256x128xf32, #tpu.memory_space<vmem>>
    tpu.enqueue_dma source(%dma_start3A_615 : memref<256x128xf32, #tpu.memory_space<vmem>>) target(%dma_start3A_611 : memref<256x128xf32, #tpu.memory_space<hbm>>) target_semaphore(%dma_start3A_609 : memref<!tpu.dma_semaphore, #tpu.memory_space<semaphore_mem>>)
    %add3A_616 = arith.constant 2304 : i32
    %add3A_617 = arith.addi %mul3A_2, %add3A_616 : i32
    %dma_wait3A_618 = arith.constant 1 : i32
    %dma_wait3A_619 = arith.constant 1 : i32
    %dma_wait3A_620 = arith.constant 0 : i32
    %dma_wait3A_621 = arith.constant 0 : i32
    %dma_wait3A_622 = tpu.memref_slice %arg6[%dma_wait3A_618, %dma_wait3A_620, %dma_wait3A_621] : memref<2x256x128xf32, #tpu.memory_space<vmem>> -> memref<1x256x128xf32, #tpu.memory_space<vmem>>
    %dma_wait3A_623 = tpu.memref_squeeze %dma_wait3A_622 : memref<1x256x128xf32, #tpu.memory_space<vmem>> -> memref<256x128xf32, #tpu.memory_space<vmem>>
    %dma_wait3A_624 = arith.constant 0 : i32
    %dma_wait3A_625 = tpu.memref_slice %arg4[%add3A_617, %dma_wait3A_624] : memref<106496x128xf32, #tpu.memory_space<hbm>> -> memref<256x128xf32, #tpu.memory_space<hbm>>
    %dma_wait3A_626 = tpu.memref_slice %arg8[%dma_wait3A_619] : memref<2x!tpu.dma_semaphore, #tpu.memory_space<semaphore_mem>> -> memref<1x!tpu.dma_semaphore, #tpu.memory_space<semaphore_mem>>
    %dma_wait3A_627 = tpu.memref_squeeze %dma_wait3A_626 : memref<1x!tpu.dma_semaphore, #tpu.memory_space<semaphore_mem>> -> memref<!tpu.dma_semaphore, #tpu.memory_space<semaphore_mem>>
    %dma_wait3A_628 = arith.constant 0 : i32
    %dma_wait3A_629 = tpu.memref_slice %arg4[%add3A_617, %dma_wait3A_628] : memref<106496x128xf32, #tpu.memory_space<hbm>> -> memref<256x128xf32, #tpu.memory_space<hbm>>
    %dma_wait3A_630 = arith.constant 0 : i32
    %dma_wait3A_631 = arith.constant 0 : i32
    %dma_wait3A_632 = tpu.memref_slice %arg6[%dma_wait3A_618, %dma_wait3A_630, %dma_wait3A_631] : memref<2x256x128xf32, #tpu.memory_space<vmem>> -> memref<1x256x128xf32, #tpu.memory_space<vmem>>
    %dma_wait3A_633 = tpu.memref_squeeze %dma_wait3A_632 : memref<1x256x128xf32, #tpu.memory_space<vmem>> -> memref<256x128xf32, #tpu.memory_space<vmem>>
    tpu.wait_dma2 semaphore(%dma_wait3A_627 : memref<!tpu.dma_semaphore, #tpu.memory_space<semaphore_mem>>) src(%dma_wait3A_633 : memref<256x128xf32, #tpu.memory_space<vmem>>) dst(%dma_wait3A_629 : memref<256x128xf32, #tpu.memory_space<hbm>>)
    %dma_start3A_634 = arith.constant 1 : i32
    %dma_start3A_635 = arith.constant 1 : i32
    %dma_start3A_636 = arith.constant 0 : i32
    %dma_start3A_637 = arith.constant 0 : i32
    %dma_start3A_638 = tpu.memref_slice %arg6[%dma_start3A_634, %dma_start3A_636, %dma_start3A_637] : memref<2x256x128xf32, #tpu.memory_space<vmem>> -> memref<1x256x128xf32, #tpu.memory_space<vmem>>
    %dma_start3A_639 = tpu.memref_squeeze %dma_start3A_638 : memref<1x256x128xf32, #tpu.memory_space<vmem>> -> memref<256x128xf32, #tpu.memory_space<vmem>>
    %dma_start3A_640 = arith.constant 2816 : i32
    %dma_start3A_641 = tpu.memref_slice %arg5[%dma_start3A_640] : memref<3328xi32, #tpu.memory_space<vmem>> -> memref<256xi32, #tpu.memory_space<vmem>>
    %dma_start3A_642 = arith.constant 0 : i32
    %dma_start3A_643 = arith.constant 0 : i32
    %dma_start3A_644 = tpu.memref_slice %arg3[%dma_start3A_642, %dma_start3A_643] : memref<100000x128xf32, #tpu.memory_space<hbm>> -> memref<100000x128xf32, #tpu.memory_space<hbm>>
    %dma_start3A_645 = tpu.memref_slice %arg7[%dma_start3A_635] : memref<2x!tpu.dma_semaphore, #tpu.memory_space<semaphore_mem>> -> memref<1x!tpu.dma_semaphore, #tpu.memory_space<semaphore_mem>>
    %dma_start3A_646 = tpu.memref_squeeze %dma_start3A_645 : memref<1x!tpu.dma_semaphore, #tpu.memory_space<semaphore_mem>> -> memref<!tpu.dma_semaphore, #tpu.memory_space<semaphore_mem>>
    tpu.enqueue_indirect_dma source(%dma_start3A_644 : memref<100000x128xf32, #tpu.memory_space<hbm>>) target(%dma_start3A_639 : memref<256x128xf32, #tpu.memory_space<vmem>>) offsets(%dma_start3A_641 : memref<256xi32, #tpu.memory_space<vmem>>) semaphore(%dma_start3A_646 : memref<!tpu.dma_semaphore, #tpu.memory_space<semaphore_mem>>)
    %dma_wait3A_647 = arith.constant 0 : i32
    %dma_wait3A_648 = arith.constant 0 : i32
    %dma_wait3A_649 = arith.constant 0 : i32
    %dma_wait3A_650 = arith.constant 0 : i32
    %dma_wait3A_651 = tpu.memref_slice %arg6[%dma_wait3A_647, %dma_wait3A_649, %dma_wait3A_650] : memref<2x256x128xf32, #tpu.memory_space<vmem>> -> memref<1x256x128xf32, #tpu.memory_space<vmem>>
    %dma_wait3A_652 = tpu.memref_squeeze %dma_wait3A_651 : memref<1x256x128xf32, #tpu.memory_space<vmem>> -> memref<256x128xf32, #tpu.memory_space<vmem>>
    %dma_wait3A_653 = arith.constant 2560 : i32
    %dma_wait3A_654 = tpu.memref_slice %arg5[%dma_wait3A_653] : memref<3328xi32, #tpu.memory_space<vmem>> -> memref<256xi32, #tpu.memory_space<vmem>>
    %dma_wait3A_655 = arith.constant 0 : i32
    %dma_wait3A_656 = arith.constant 0 : i32
    %dma_wait3A_657 = tpu.memref_slice %arg3[%dma_wait3A_655, %dma_wait3A_656] : memref<100000x128xf32, #tpu.memory_space<hbm>> -> memref<100000x128xf32, #tpu.memory_space<hbm>>
    %dma_wait3A_658 = tpu.memref_slice %arg7[%dma_wait3A_648] : memref<2x!tpu.dma_semaphore, #tpu.memory_space<semaphore_mem>> -> memref<1x!tpu.dma_semaphore, #tpu.memory_space<semaphore_mem>>
    %dma_wait3A_659 = tpu.memref_squeeze %dma_wait3A_658 : memref<1x!tpu.dma_semaphore, #tpu.memory_space<semaphore_mem>> -> memref<!tpu.dma_semaphore, #tpu.memory_space<semaphore_mem>>
    tpu.wait_indirect_dma semaphore(%dma_wait3A_659 : memref<!tpu.dma_semaphore, #tpu.memory_space<semaphore_mem>>) src(%dma_wait3A_657 : memref<100000x128xf32, #tpu.memory_space<hbm>>) dst(%dma_wait3A_652 : memref<256x128xf32, #tpu.memory_space<vmem>>)
    %add3A_660 = arith.constant 2560 : i32
    %add3A_661 = arith.addi %mul3A_2, %add3A_660 : i32
    %dma_start3A_662 = arith.constant 0 : i32
    %dma_start3A_663 = arith.constant 0 : i32
    %dma_start3A_664 = arith.constant 0 : i32
    %dma_start3A_665 = arith.constant 0 : i32
    %dma_start3A_666 = tpu.memref_slice %arg6[%dma_start3A_662, %dma_start3A_664, %dma_start3A_665] : memref<2x256x128xf32, #tpu.memory_space<vmem>> -> memref<1x256x128xf32, #tpu.memory_space<vmem>>
    %dma_start3A_667 = tpu.memref_squeeze %dma_start3A_666 : memref<1x256x128xf32, #tpu.memory_space<vmem>> -> memref<256x128xf32, #tpu.memory_space<vmem>>
    %dma_start3A_668 = arith.constant 0 : i32
    %dma_start3A_669 = tpu.memref_slice %arg4[%add3A_661, %dma_start3A_668] : memref<106496x128xf32, #tpu.memory_space<hbm>> -> memref<256x128xf32, #tpu.memory_space<hbm>>
    %dma_start3A_670 = tpu.memref_slice %arg8[%dma_start3A_663] : memref<2x!tpu.dma_semaphore, #tpu.memory_space<semaphore_mem>> -> memref<1x!tpu.dma_semaphore, #tpu.memory_space<semaphore_mem>>
    %dma_start3A_671 = tpu.memref_squeeze %dma_start3A_670 : memref<1x!tpu.dma_semaphore, #tpu.memory_space<semaphore_mem>> -> memref<!tpu.dma_semaphore, #tpu.memory_space<semaphore_mem>>
    %dma_start3A_672 = arith.constant 0 : i32
    %dma_start3A_673 = tpu.memref_slice %arg4[%add3A_661, %dma_start3A_672] : memref<106496x128xf32, #tpu.memory_space<hbm>> -> memref<256x128xf32, #tpu.memory_space<hbm>>
    %dma_start3A_674 = arith.constant 0 : i32
    %dma_start3A_675 = arith.constant 0 : i32
    %dma_start3A_676 = tpu.memref_slice %arg6[%dma_start3A_662, %dma_start3A_674, %dma_start3A_675] : memref<2x256x128xf32, #tpu.memory_space<vmem>> -> memref<1x256x128xf32, #tpu.memory_space<vmem>>
    %dma_start3A_677 = tpu.memref_squeeze %dma_start3A_676 : memref<1x256x128xf32, #tpu.memory_space<vmem>> -> memref<256x128xf32, #tpu.memory_space<vmem>>
    tpu.enqueue_dma source(%dma_start3A_677 : memref<256x128xf32, #tpu.memory_space<vmem>>) target(%dma_start3A_673 : memref<256x128xf32, #tpu.memory_space<hbm>>) target_semaphore(%dma_start3A_671 : memref<!tpu.dma_semaphore, #tpu.memory_space<semaphore_mem>>)
    %add3A_678 = arith.constant 2560 : i32
    %add3A_679 = arith.addi %mul3A_2, %add3A_678 : i32
    %dma_wait3A_680 = arith.constant 0 : i32
    %dma_wait3A_681 = arith.constant 0 : i32
    %dma_wait3A_682 = arith.constant 0 : i32
    %dma_wait3A_683 = arith.constant 0 : i32
    %dma_wait3A_684 = tpu.memref_slice %arg6[%dma_wait3A_680, %dma_wait3A_682, %dma_wait3A_683] : memref<2x256x128xf32, #tpu.memory_space<vmem>> -> memref<1x256x128xf32, #tpu.memory_space<vmem>>
    %dma_wait3A_685 = tpu.memref_squeeze %dma_wait3A_684 : memref<1x256x128xf32, #tpu.memory_space<vmem>> -> memref<256x128xf32, #tpu.memory_space<vmem>>
    %dma_wait3A_686 = arith.constant 0 : i32
    %dma_wait3A_687 = tpu.memref_slice %arg4[%add3A_679, %dma_wait3A_686] : memref<106496x128xf32, #tpu.memory_space<hbm>> -> memref<256x128xf32, #tpu.memory_space<hbm>>
    %dma_wait3A_688 = tpu.memref_slice %arg8[%dma_wait3A_681] : memref<2x!tpu.dma_semaphore, #tpu.memory_space<semaphore_mem>> -> memref<1x!tpu.dma_semaphore, #tpu.memory_space<semaphore_mem>>
    %dma_wait3A_689 = tpu.memref_squeeze %dma_wait3A_688 : memref<1x!tpu.dma_semaphore, #tpu.memory_space<semaphore_mem>> -> memref<!tpu.dma_semaphore, #tpu.memory_space<semaphore_mem>>
    %dma_wait3A_690 = arith.constant 0 : i32
    %dma_wait3A_691 = tpu.memref_slice %arg4[%add3A_679, %dma_wait3A_690] : memref<106496x128xf32, #tpu.memory_space<hbm>> -> memref<256x128xf32, #tpu.memory_space<hbm>>
    %dma_wait3A_692 = arith.constant 0 : i32
    %dma_wait3A_693 = arith.constant 0 : i32
    %dma_wait3A_694 = tpu.memref_slice %arg6[%dma_wait3A_680, %dma_wait3A_692, %dma_wait3A_693] : memref<2x256x128xf32, #tpu.memory_space<vmem>> -> memref<1x256x128xf32, #tpu.memory_space<vmem>>
    %dma_wait3A_695 = tpu.memref_squeeze %dma_wait3A_694 : memref<1x256x128xf32, #tpu.memory_space<vmem>> -> memref<256x128xf32, #tpu.memory_space<vmem>>
    tpu.wait_dma2 semaphore(%dma_wait3A_689 : memref<!tpu.dma_semaphore, #tpu.memory_space<semaphore_mem>>) src(%dma_wait3A_695 : memref<256x128xf32, #tpu.memory_space<vmem>>) dst(%dma_wait3A_691 : memref<256x128xf32, #tpu.memory_space<hbm>>)
    %dma_start3A_696 = arith.constant 0 : i32
    %dma_start3A_697 = arith.constant 0 : i32
    %dma_start3A_698 = arith.constant 0 : i32
    %dma_start3A_699 = arith.constant 0 : i32
    %dma_start3A_700 = tpu.memref_slice %arg6[%dma_start3A_696, %dma_start3A_698, %dma_start3A_699] : memref<2x256x128xf32, #tpu.memory_space<vmem>> -> memref<1x256x128xf32, #tpu.memory_space<vmem>>
    %dma_start3A_701 = tpu.memref_squeeze %dma_start3A_700 : memref<1x256x128xf32, #tpu.memory_space<vmem>> -> memref<256x128xf32, #tpu.memory_space<vmem>>
    %dma_start3A_702 = arith.constant 3072 : i32
    %dma_start3A_703 = tpu.memref_slice %arg5[%dma_start3A_702] : memref<3328xi32, #tpu.memory_space<vmem>> -> memref<256xi32, #tpu.memory_space<vmem>>
    %dma_start3A_704 = arith.constant 0 : i32
    %dma_start3A_705 = arith.constant 0 : i32
    %dma_start3A_706 = tpu.memref_slice %arg3[%dma_start3A_704, %dma_start3A_705] : memref<100000x128xf32, #tpu.memory_space<hbm>> -> memref<100000x128xf32, #tpu.memory_space<hbm>>
    %dma_start3A_707 = tpu.memref_slice %arg7[%dma_start3A_697] : memref<2x!tpu.dma_semaphore, #tpu.memory_space<semaphore_mem>> -> memref<1x!tpu.dma_semaphore, #tpu.memory_space<semaphore_mem>>
    %dma_start3A_708 = tpu.memref_squeeze %dma_start3A_707 : memref<1x!tpu.dma_semaphore, #tpu.memory_space<semaphore_mem>> -> memref<!tpu.dma_semaphore, #tpu.memory_space<semaphore_mem>>
    tpu.enqueue_indirect_dma source(%dma_start3A_706 : memref<100000x128xf32, #tpu.memory_space<hbm>>) target(%dma_start3A_701 : memref<256x128xf32, #tpu.memory_space<vmem>>) offsets(%dma_start3A_703 : memref<256xi32, #tpu.memory_space<vmem>>) semaphore(%dma_start3A_708 : memref<!tpu.dma_semaphore, #tpu.memory_space<semaphore_mem>>)
    %dma_wait3A_709 = arith.constant 1 : i32
    %dma_wait3A_710 = arith.constant 1 : i32
    %dma_wait3A_711 = arith.constant 0 : i32
    %dma_wait3A_712 = arith.constant 0 : i32
    %dma_wait3A_713 = tpu.memref_slice %arg6[%dma_wait3A_709, %dma_wait3A_711, %dma_wait3A_712] : memref<2x256x128xf32, #tpu.memory_space<vmem>> -> memref<1x256x128xf32, #tpu.memory_space<vmem>>
    %dma_wait3A_714 = tpu.memref_squeeze %dma_wait3A_713 : memref<1x256x128xf32, #tpu.memory_space<vmem>> -> memref<256x128xf32, #tpu.memory_space<vmem>>
    %dma_wait3A_715 = arith.constant 2816 : i32
    %dma_wait3A_716 = tpu.memref_slice %arg5[%dma_wait3A_715] : memref<3328xi32, #tpu.memory_space<vmem>> -> memref<256xi32, #tpu.memory_space<vmem>>
    %dma_wait3A_717 = arith.constant 0 : i32
    %dma_wait3A_718 = arith.constant 0 : i32
    %dma_wait3A_719 = tpu.memref_slice %arg3[%dma_wait3A_717, %dma_wait3A_718] : memref<100000x128xf32, #tpu.memory_space<hbm>> -> memref<100000x128xf32, #tpu.memory_space<hbm>>
    %dma_wait3A_720 = tpu.memref_slice %arg7[%dma_wait3A_710] : memref<2x!tpu.dma_semaphore, #tpu.memory_space<semaphore_mem>> -> memref<1x!tpu.dma_semaphore, #tpu.memory_space<semaphore_mem>>
    %dma_wait3A_721 = tpu.memref_squeeze %dma_wait3A_720 : memref<1x!tpu.dma_semaphore, #tpu.memory_space<semaphore_mem>> -> memref<!tpu.dma_semaphore, #tpu.memory_space<semaphore_mem>>
    tpu.wait_indirect_dma semaphore(%dma_wait3A_721 : memref<!tpu.dma_semaphore, #tpu.memory_space<semaphore_mem>>) src(%dma_wait3A_719 : memref<100000x128xf32, #tpu.memory_space<hbm>>) dst(%dma_wait3A_714 : memref<256x128xf32, #tpu.memory_space<vmem>>)
    %add3A_722 = arith.constant 2816 : i32
    %add3A_723 = arith.addi %mul3A_2, %add3A_722 : i32
    %dma_start3A_724 = arith.constant 1 : i32
    %dma_start3A_725 = arith.constant 1 : i32
    %dma_start3A_726 = arith.constant 0 : i32
    %dma_start3A_727 = arith.constant 0 : i32
    %dma_start3A_728 = tpu.memref_slice %arg6[%dma_start3A_724, %dma_start3A_726, %dma_start3A_727] : memref<2x256x128xf32, #tpu.memory_space<vmem>> -> memref<1x256x128xf32, #tpu.memory_space<vmem>>
    %dma_start3A_729 = tpu.memref_squeeze %dma_start3A_728 : memref<1x256x128xf32, #tpu.memory_space<vmem>> -> memref<256x128xf32, #tpu.memory_space<vmem>>
    %dma_start3A_730 = arith.constant 0 : i32
    %dma_start3A_731 = tpu.memref_slice %arg4[%add3A_723, %dma_start3A_730] : memref<106496x128xf32, #tpu.memory_space<hbm>> -> memref<256x128xf32, #tpu.memory_space<hbm>>
    %dma_start3A_732 = tpu.memref_slice %arg8[%dma_start3A_725] : memref<2x!tpu.dma_semaphore, #tpu.memory_space<semaphore_mem>> -> memref<1x!tpu.dma_semaphore, #tpu.memory_space<semaphore_mem>>
    %dma_start3A_733 = tpu.memref_squeeze %dma_start3A_732 : memref<1x!tpu.dma_semaphore, #tpu.memory_space<semaphore_mem>> -> memref<!tpu.dma_semaphore, #tpu.memory_space<semaphore_mem>>
    %dma_start3A_734 = arith.constant 0 : i32
    %dma_start3A_735 = tpu.memref_slice %arg4[%add3A_723, %dma_start3A_734] : memref<106496x128xf32, #tpu.memory_space<hbm>> -> memref<256x128xf32, #tpu.memory_space<hbm>>
    %dma_start3A_736 = arith.constant 0 : i32
    %dma_start3A_737 = arith.constant 0 : i32
    %dma_start3A_738 = tpu.memref_slice %arg6[%dma_start3A_724, %dma_start3A_736, %dma_start3A_737] : memref<2x256x128xf32, #tpu.memory_space<vmem>> -> memref<1x256x128xf32, #tpu.memory_space<vmem>>
    %dma_start3A_739 = tpu.memref_squeeze %dma_start3A_738 : memref<1x256x128xf32, #tpu.memory_space<vmem>> -> memref<256x128xf32, #tpu.memory_space<vmem>>
    tpu.enqueue_dma source(%dma_start3A_739 : memref<256x128xf32, #tpu.memory_space<vmem>>) target(%dma_start3A_735 : memref<256x128xf32, #tpu.memory_space<hbm>>) target_semaphore(%dma_start3A_733 : memref<!tpu.dma_semaphore, #tpu.memory_space<semaphore_mem>>)
    %dma_wait3A_740 = arith.constant 0 : i32
    %dma_wait3A_741 = arith.constant 0 : i32
    %dma_wait3A_742 = arith.constant 0 : i32
    %dma_wait3A_743 = arith.constant 0 : i32
    %dma_wait3A_744 = tpu.memref_slice %arg6[%dma_wait3A_740, %dma_wait3A_742, %dma_wait3A_743] : memref<2x256x128xf32, #tpu.memory_space<vmem>> -> memref<1x256x128xf32, #tpu.memory_space<vmem>>
    %dma_wait3A_745 = tpu.memref_squeeze %dma_wait3A_744 : memref<1x256x128xf32, #tpu.memory_space<vmem>> -> memref<256x128xf32, #tpu.memory_space<vmem>>
    %dma_wait3A_746 = arith.constant 3072 : i32
    %dma_wait3A_747 = tpu.memref_slice %arg5[%dma_wait3A_746] : memref<3328xi32, #tpu.memory_space<vmem>> -> memref<256xi32, #tpu.memory_space<vmem>>
    %dma_wait3A_748 = arith.constant 0 : i32
    %dma_wait3A_749 = arith.constant 0 : i32
    %dma_wait3A_750 = tpu.memref_slice %arg3[%dma_wait3A_748, %dma_wait3A_749] : memref<100000x128xf32, #tpu.memory_space<hbm>> -> memref<100000x128xf32, #tpu.memory_space<hbm>>
    %dma_wait3A_751 = tpu.memref_slice %arg7[%dma_wait3A_741] : memref<2x!tpu.dma_semaphore, #tpu.memory_space<semaphore_mem>> -> memref<1x!tpu.dma_semaphore, #tpu.memory_space<semaphore_mem>>
    %dma_wait3A_752 = tpu.memref_squeeze %dma_wait3A_751 : memref<1x!tpu.dma_semaphore, #tpu.memory_space<semaphore_mem>> -> memref<!tpu.dma_semaphore, #tpu.memory_space<semaphore_mem>>
    tpu.wait_indirect_dma semaphore(%dma_wait3A_752 : memref<!tpu.dma_semaphore, #tpu.memory_space<semaphore_mem>>) src(%dma_wait3A_750 : memref<100000x128xf32, #tpu.memory_space<hbm>>) dst(%dma_wait3A_745 : memref<256x128xf32, #tpu.memory_space<vmem>>)
    %add3A_753 = arith.constant 3072 : i32
    %add3A_754 = arith.addi %mul3A_2, %add3A_753 : i32
    %dma_start3A_755 = arith.constant 0 : i32
    %dma_start3A_756 = arith.constant 0 : i32
    %dma_start3A_757 = arith.constant 0 : i32
    %dma_start3A_758 = arith.constant 0 : i32
    %dma_start3A_759 = tpu.memref_slice %arg6[%dma_start3A_755, %dma_start3A_757, %dma_start3A_758] : memref<2x256x128xf32, #tpu.memory_space<vmem>> -> memref<1x256x128xf32, #tpu.memory_space<vmem>>
    %dma_start3A_760 = tpu.memref_squeeze %dma_start3A_759 : memref<1x256x128xf32, #tpu.memory_space<vmem>> -> memref<256x128xf32, #tpu.memory_space<vmem>>
    %dma_start3A_761 = arith.constant 0 : i32
    %dma_start3A_762 = tpu.memref_slice %arg4[%add3A_754, %dma_start3A_761] : memref<106496x128xf32, #tpu.memory_space<hbm>> -> memref<256x128xf32, #tpu.memory_space<hbm>>
    %dma_start3A_763 = tpu.memref_slice %arg8[%dma_start3A_756] : memref<2x!tpu.dma_semaphore, #tpu.memory_space<semaphore_mem>> -> memref<1x!tpu.dma_semaphore, #tpu.memory_space<semaphore_mem>>
    %dma_start3A_764 = tpu.memref_squeeze %dma_start3A_763 : memref<1x!tpu.dma_semaphore, #tpu.memory_space<semaphore_mem>> -> memref<!tpu.dma_semaphore, #tpu.memory_space<semaphore_mem>>
    %dma_start3A_765 = arith.constant 0 : i32
    %dma_start3A_766 = tpu.memref_slice %arg4[%add3A_754, %dma_start3A_765] : memref<106496x128xf32, #tpu.memory_space<hbm>> -> memref<256x128xf32, #tpu.memory_space<hbm>>
    %dma_start3A_767 = arith.constant 0 : i32
    %dma_start3A_768 = arith.constant 0 : i32
    %dma_start3A_769 = tpu.memref_slice %arg6[%dma_start3A_755, %dma_start3A_767, %dma_start3A_768] : memref<2x256x128xf32, #tpu.memory_space<vmem>> -> memref<1x256x128xf32, #tpu.memory_space<vmem>>
    %dma_start3A_770 = tpu.memref_squeeze %dma_start3A_769 : memref<1x256x128xf32, #tpu.memory_space<vmem>> -> memref<256x128xf32, #tpu.memory_space<vmem>>
    tpu.enqueue_dma source(%dma_start3A_770 : memref<256x128xf32, #tpu.memory_space<vmem>>) target(%dma_start3A_766 : memref<256x128xf32, #tpu.memory_space<hbm>>) target_semaphore(%dma_start3A_764 : memref<!tpu.dma_semaphore, #tpu.memory_space<semaphore_mem>>)
    %add3A_771 = arith.constant 2816 : i32
    %add3A_772 = arith.addi %mul3A_2, %add3A_771 : i32
    %dma_wait3A_773 = arith.constant 1 : i32
    %dma_wait3A_774 = arith.constant 1 : i32
    %dma_wait3A_775 = arith.constant 0 : i32
    %dma_wait3A_776 = arith.constant 0 : i32
    %dma_wait3A_777 = tpu.memref_slice %arg6[%dma_wait3A_773, %dma_wait3A_775, %dma_wait3A_776] : memref<2x256x128xf32, #tpu.memory_space<vmem>> -> memref<1x256x128xf32, #tpu.memory_space<vmem>>
    %dma_wait3A_778 = tpu.memref_squeeze %dma_wait3A_777 : memref<1x256x128xf32, #tpu.memory_space<vmem>> -> memref<256x128xf32, #tpu.memory_space<vmem>>
    %dma_wait3A_779 = arith.constant 0 : i32
    %dma_wait3A_780 = tpu.memref_slice %arg4[%add3A_772, %dma_wait3A_779] : memref<106496x128xf32, #tpu.memory_space<hbm>> -> memref<256x128xf32, #tpu.memory_space<hbm>>
    %dma_wait3A_781 = tpu.memref_slice %arg8[%dma_wait3A_774] : memref<2x!tpu.dma_semaphore, #tpu.memory_space<semaphore_mem>> -> memref<1x!tpu.dma_semaphore, #tpu.memory_space<semaphore_mem>>
    %dma_wait3A_782 = tpu.memref_squeeze %dma_wait3A_781 : memref<1x!tpu.dma_semaphore, #tpu.memory_space<semaphore_mem>> -> memref<!tpu.dma_semaphore, #tpu.memory_space<semaphore_mem>>
    %dma_wait3A_783 = arith.constant 0 : i32
    %dma_wait3A_784 = tpu.memref_slice %arg4[%add3A_772, %dma_wait3A_783] : memref<106496x128xf32, #tpu.memory_space<hbm>> -> memref<256x128xf32, #tpu.memory_space<hbm>>
    %dma_wait3A_785 = arith.constant 0 : i32
    %dma_wait3A_786 = arith.constant 0 : i32
    %dma_wait3A_787 = tpu.memref_slice %arg6[%dma_wait3A_773, %dma_wait3A_785, %dma_wait3A_786] : memref<2x256x128xf32, #tpu.memory_space<vmem>> -> memref<1x256x128xf32, #tpu.memory_space<vmem>>
    %dma_wait3A_788 = tpu.memref_squeeze %dma_wait3A_787 : memref<1x256x128xf32, #tpu.memory_space<vmem>> -> memref<256x128xf32, #tpu.memory_space<vmem>>
    tpu.wait_dma2 semaphore(%dma_wait3A_782 : memref<!tpu.dma_semaphore, #tpu.memory_space<semaphore_mem>>) src(%dma_wait3A_788 : memref<256x128xf32, #tpu.memory_space<vmem>>) dst(%dma_wait3A_784 : memref<256x128xf32, #tpu.memory_space<hbm>>)
    %add3A_789 = arith.constant 3072 : i32
    %add3A_790 = arith.addi %mul3A_2, %add3A_789 : i32
    %dma_wait3A_791 = arith.constant 0 : i32
    %dma_wait3A_792 = arith.constant 0 : i32
    %dma_wait3A_793 = arith.constant 0 : i32
    %dma_wait3A_794 = arith.constant 0 : i32
    %dma_wait3A_795 = tpu.memref_slice %arg6[%dma_wait3A_791, %dma_wait3A_793, %dma_wait3A_794] : memref<2x256x128xf32, #tpu.memory_space<vmem>> -> memref<1x256x128xf32, #tpu.memory_space<vmem>>
    %dma_wait3A_796 = tpu.memref_squeeze %dma_wait3A_795 : memref<1x256x128xf32, #tpu.memory_space<vmem>> -> memref<256x128xf32, #tpu.memory_space<vmem>>
    %dma_wait3A_797 = arith.constant 0 : i32
    %dma_wait3A_798 = tpu.memref_slice %arg4[%add3A_790, %dma_wait3A_797] : memref<106496x128xf32, #tpu.memory_space<hbm>> -> memref<256x128xf32, #tpu.memory_space<hbm>>
    %dma_wait3A_799 = tpu.memref_slice %arg8[%dma_wait3A_792] : memref<2x!tpu.dma_semaphore, #tpu.memory_space<semaphore_mem>> -> memref<1x!tpu.dma_semaphore, #tpu.memory_space<semaphore_mem>>
    %dma_wait3A_800 = tpu.memref_squeeze %dma_wait3A_799 : memref<1x!tpu.dma_semaphore, #tpu.memory_space<semaphore_mem>> -> memref<!tpu.dma_semaphore, #tpu.memory_space<semaphore_mem>>
    %dma_wait3A_801 = arith.constant 0 : i32
    %dma_wait3A_802 = tpu.memref_slice %arg4[%add3A_790, %dma_wait3A_801] : memref<106496x128xf32, #tpu.memory_space<hbm>> -> memref<256x128xf32, #tpu.memory_space<hbm>>
    %dma_wait3A_803 = arith.constant 0 : i32
    %dma_wait3A_804 = arith.constant 0 : i32
    %dma_wait3A_805 = tpu.memref_slice %arg6[%dma_wait3A_791, %dma_wait3A_803, %dma_wait3A_804] : memref<2x256x128xf32, #tpu.memory_space<vmem>> -> memref<1x256x128xf32, #tpu.memory_space<vmem>>
    %dma_wait3A_806 = tpu.memref_squeeze %dma_wait3A_805 : memref<1x256x128xf32, #tpu.memory_space<vmem>> -> memref<256x128xf32, #tpu.memory_space<vmem>>
    tpu.wait_dma2 semaphore(%dma_wait3A_800 : memref<!tpu.dma_semaphore, #tpu.memory_space<semaphore_mem>>) src(%dma_wait3A_806 : memref<256x128xf32, #tpu.memory_space<vmem>>) dst(%dma_wait3A_802 : memref<256x128xf32, #tpu.memory_space<hbm>>)
    return
  }
}

</mosaic_0001>

<sc_bundles>
// kernel: kernel.3.cloned.1.call-start
scs
__scs_entry_jumppad:
0x0: {  	(pc) =	sbr.rel $0x88, $3  }
0x1: {  	(tag) =	ssettag $0x0;
	lr =	simm.s32 $0x1  }
0x2: {  	[smem:$0x3F9F] =	sst lr;
	_ =	strace $0xD0000000  }
0x3: {  	_ = 	snop  }
0x4: {  	_ = 	snop  }
0x5: {  	_ = 	snop  }
0x6: {  	_ = 	snop  }
0x7: {  	_ = 	snop  }
__scs_overlays_trampoline_lowered:
0x8: {  	[smem:$0x3FAE] =	sst s0  }
0x9: {  	[smem:$0x3FAF] =	sst s1  }
0xa: {  	[smem:$0x3FB0] =	sst s2  }
0xb: {  	[smem:$0x3FB1] =	sst s3  }
0xc: {  	[smem:$0x3FB2] =	sst s4  }
0xd: {  	[smem:$0x3FB3] =	sst s5  }
0xe: {  	[smem:$0x3FB4] =	sst s6  }
0xf: {  	[smem:$0x3FB5] =	sst s7  }
0x10: {  	[smem:$0x3FB6] =	sst s8  }
0x11: {  	[smem:$0x3FB7] =	sst s9;
	s0 =	simm.s32 @!p0 $0x0  }
0x12: {  	s1 =	sld [smem:$0x3F9D];
	s0 =	simm.s32 @p0 $0x1  }
0x13: {  	[smem:$0x3FB8] =	sst s0;
	s0 =	simm.s32 @!p1 $0x0  }
0x14: {  	s2 =	sld [smem:$0x3F9C];
	s0 =	simm.s32 @p1 $0x1  }
0x15: {  	[smem:$0x3FB9] =	sst s0;
	s0 =	simm.s32 @!p2 $0x0  }
0x16: {  	s3 =	sld [smem:$0x3FDB];
	s0 =	simm.s32 @p2 $0x1  }
0x17: {  	s4 =	simm.s32 $0x1BF5;
	[smem:$0x3FBB] =	sst s0  }
0x18: {  	s0 =	sld [smem:$0x3F9E];
	_ =	swait.ge [sflag:s4], $0x0  }
0x19: {  	s7 =	sld [smem:$0x3F9F]  }
0x1a: {  	s8 =	sadd.s32 $0xFFFFE003, lr  }
0x1b: {  	s9 =	sadd.s32 $0xFFFFFEF7, lr;
	s5 =	simm.s32 $0xFFFFFFFF;
	p2 =	slt.u32 s8, $0xFFFFF086  }
0x1c: {  	p1 =	slt.u32 s9, $0xF7A;
	s5 =	simm.s32 @!p2 $0x0  }
0x1d: {  	s5 =	simm.s32 @p1 $0x1;
	p0 =	seq.s32 s7, s2  }
0x1e: {  	s7 =	smul.u32 @!p0 $0xF7A, s2;
	p2 =	seq.s32 @!p0 s5, $0x0  }
0x1f: {  	s9 =	smul.u32 $0xF7A, s1;
	s8 =	simm.s32 @!p0 $0x1BF5;
	p2 =	por !p2, p0  }
0x20: {  	[sflag:s8] =	ssyncset.s32 @!p0 $0xFFFFF086;
	s6 =	sadd.s32 @!p0 s3, s7;
	s7 =	simm.s32 @!p0 $0x108  }
0x21: {  	s3 =	sadd.s32 s3, s9;
	s6 =	sadd.s32 @!p0 $0x88, s6;
	s7 =	simm.s32 @p2 $0x1082  }
0x22: {  	[simem:s7], [sflag:s8] =	dma.local @!p0 [hbm:s6], $0xF7A  }
0x23: {  	s9 =	sor.u32 $0xD0000000, s2;
	s6 =	simm.s32 $0x108;
	_ =	swait.ge @!p0 [sflag:s8], $0x0  }
0x24: {  	s3 =	sadd.s32 $0x88, s3;
	s6 =	simm.s32 @!p1 $0x1082;
	[sflag:s4] =	ssyncset.s32 $0xFFFFF086  }
0x25: {  	[simem:s6], [sflag:s4] =	dma.local [hbm:s3], $0xF7A  }
0x26: {  	[smem:$0x3F9F] =	sst s1;
	(tag) =	ssettag s2;
	_ =	strace s9  }
0x27: {  	s1 =	sld [smem:$0x3FAF]  }
0x28: {  	s2 =	sld [smem:$0x3FB0]  }
0x29: {  	s4 =	sld [smem:$0x3FB2]  }
0x2a: {  	p0 =	seq.s32 s5, $0x0;
	s5 =	sld [smem:$0x3FB3]  }
0x2b: {  	s6 =	sld [smem:$0x3FB4]  }
0x2c: {  	s7 =	sld [smem:$0x3FB5]  }
0x2d: {  	s3 =	simm.s32 $0x108;
	s8 =	sld [smem:$0x3FB6]  }
0x2e: {  	s3 =	simm.s32 @!p0 $0x1082;
	s9 =	sld [smem:$0x3FB7]  }
0x2f: {  	lr =	sadd.s32 s0, s3;
	s0 =	sld [smem:$0x3FAE]  }
0x30: {  	s3 =	sld [smem:$0x3FB1]  }
0x31: {  	[smem:$0x3FBA] =	sst s10  }
0x32: {  	s10 =	sld [smem:$0x3FB8];
	_ =	sdelay $0x3  }
0x33: {  	p0 =	seq.s32 s10, $0x1;
	s10 =	sld [smem:$0x3FBA];
	_ =	sdelay $0x3  }
0x34: {  	[smem:$0x3FBA] =	sst s10  }
0x35: {  	s10 =	sld [smem:$0x3FB9];
	_ =	sdelay $0x3  }
0x36: {  	p1 =	seq.s32 s10, $0x1;
	s10 =	sld [smem:$0x3FBA];
	_ =	sdelay $0x3  }
0x37: {  	[smem:$0x3FBA] =	sst s10  }
0x38: {  	s10 =	sld [smem:$0x3FBB]  }
0x39: {  	_ = 	snop;
	(pc) =	sbr.ind lr, $3  }
0x3a: {  	_ = 	snop  }
0x3b: {  	_ = 	snop  }
0x3c: {  	p2 =	seq.s32 s10, $0x1;
	s10 =	sld [smem:$0x3FBA]  }
0x3d: {  	_ =	shalt  }
0x3e: {  	_ =	shalt  }
0x3f: {  	_ =	shalt  }
0x40: {  	_ =	shalt  }
0x41: {  	_ =	shalt  }
0x42: {  	_ =	shalt  }
0x43: {  	_ =	shalt  }
0x44: {  	_ =	shalt  }
0x45: {  	_ =	shalt  }
0x46: {  	_ =	shalt  }
0x47: {  	_ =	shalt  }
0x48: {  	_ =	shalt  }
0x49: {  	_ =	shalt  }
0x4a: {  	_ =	shalt  }
0x4b: {  	_ =	shalt  }
0x4c: {  	_ =	shalt  }
0x4d: {  	_ =	shalt  }
0x4e: {  	_ =	shalt  }
0x4f: {  	_ =	shalt  }
0x50: {  	_ =	shalt  }
0x51: {  	_ =	shalt  }
0x52: {  	_ =	shalt  }
0x53: {  	_ =	shalt  }
0x54: {  	_ =	shalt  }
0x55: {  	_ =	shalt  }
0x56: {  	_ =	shalt  }
0x57: {  	_ =	shalt  }
0x58: {  	_ =	shalt  }
0x59: {  	_ =	shalt  }
0x5a: {  	_ =	shalt  }
0x5b: {  	_ =	shalt  }
0x5c: {  	_ =	shalt  }
0x5d: {  	_ =	shalt  }
0x5e: {  	_ =	shalt  }
0x5f: {  	_ =	shalt  }
0x60: {  	_ =	shalt  }
0x61: {  	_ =	shalt  }
0x62: {  	_ =	shalt  }
0x63: {  	_ =	shalt  }
0x64: {  	_ =	shalt  }
0x65: {  	_ =	shalt  }
0x66: {  	_ =	shalt  }
0x67: {  	_ =	shalt  }
0x68: {  	_ =	shalt  }
0x69: {  	_ =	shalt  }
0x6a: {  	_ =	shalt  }
0x6b: {  	_ =	shalt  }
0x6c: {  	_ =	shalt  }
0x6d: {  	_ =	shalt  }
0x6e: {  	_ =	shalt  }
0x6f: {  	_ =	shalt  }
0x70: {  	_ =	shalt  }
0x71: {  	_ =	shalt  }
0x72: {  	_ =	shalt  }
0x73: {  	_ =	shalt  }
0x74: {  	_ =	shalt  }
0x75: {  	_ =	shalt  }
0x76: {  	_ =	shalt  }
0x77: {  	_ =	shalt  }
0x78: {  	_ =	shalt  }
0x79: {  	_ =	shalt  }
0x7a: {  	_ =	shalt  }
0x7b: {  	_ =	shalt  }
0x7c: {  	_ =	shalt  }
0x7d: {  	_ =	shalt  }
0x7e: {  	_ =	shalt  }
0x7f: {  	_ =	shalt  }
0x80: {  	_ =	shalt  }
0x81: {  	_ =	shalt  }
0x82: {  	_ =	shalt  }
0x83: {  	_ =	shalt  }
0x84: {  	_ =	shalt  }
0x85: {  	_ =	shalt  }
0x86: {  	_ =	shalt  }
0x87: {  	_ =	shalt  }
.Lfunc_end0:
.L_simem_size_0:
called_computation_lowered:
.L_overlay_start_0:
0x88: {  	s2 =	sld [smem:$0x3FD9]  }
0x89: {  	s3 =	sld [smem:$0x3FFE];
	_ =	sdelay $0x1  }
0x8a: {  	s1 =	srdreg.scid  }
0x8b: {  	s0 =	sand.u32 $0x1, s1  }
0x8c: {  	s17 =	sshll.u32 s0, $0xA;
	s2 =	sadd.s32 s3, s2  }
0x8d: {  	s2 =	sadd.s32 s2, s17  }
0x8e: {  	[smem:$0x3FC6] =	sst s2  }
0x8f: {  	_ = 	snop  }
0x90: {  	s2 =	sld [smem:$0x3FC8]  }
0x91: {  	s18 =	sld [smem:$0x3FD0];
	(tm) =	ssettm $0x1  }
0x92: {  	s4 =	sld [smem:$0x3FFB];
	_ =	sdelay $0x3  }
0x93: {  	_ =	strace s4  }
0x94: {  	s4 =	sld [smem:$0x3FFC];
	_ =	sdelay $0x3  }
0x95: {  	_ =	strace s4  }
0x96: {  	s4 =	sld [smem:$0x3FFD];
	_ =	sdelay $0x3  }
0x97: {  	_ =	strace s4  }
0x98: {  	_ =	strace $0x8FFFFFFF  }
0x99: {  	s19 =	sld [smem:$0x3FDB];
	_ =	sdelay $0x1  }
0x9a: {  	s5 =	simm.s32 $_scs_section_size  }
0x9b: {  	s6 =	simm.s32 $_size__tile_overlayer_lowered;
	s7 =	simm.s32 $_tile_overlayer_lowered  }
0x9c: {  	s22 =	simm.s32 $0x1BFF;
	s21 =	sshll.u32 s7, $0x1;
	s4 =	sadd.s32 s5, s19  }
0x9d: {  	s8 =	simm.s32 $0x0;
	s20 =	sshll.u32 s6, $0x1;
	s6 =	sadd.s32 s21, s4  }
0x9e: {  	[timem:s8], [sflag:s22] =	dma.local [hbm:s6], s20  }
0x9f: {  	_ =	swait.ge [sflag:s22], s20  }
0xa0: {  	s5 =	ssub.s32 $0x0, s20;
	[sflag:s22] =	ssyncset.done $0x0  }
0xa1: {  	[sflag:s22] =	ssyncadd.s32 s5;
	_ =	sdelay $0x1  }
0xa2: {  	s23 =	simm.s32 $0x1B8B  }
0xa3: {  	_ =	swait.ge [sflag:s23], $0x1  }
0xa4: {  	[sflag:s23] =	ssyncset.done $0x0  }
0xa5: {  	s25 =	simm.s32 $0x1B8E;
	s24 =	sld [smem:$0x3FFE];
	[sflag:s23] =	ssyncadd.s32 $0xFFFFFFFF  }
0xa6: {  	s26 =	simm.s32 $execute0_lowered;
	[smem:$0x3FD2] =	sst s25  }
0xa7: {  	s6 =	sshll.u32 s26, $0x1;
	_ =	strace $0x80000046;
	[dreg:$0x1] =	wrdreg $0xFFFFFFFF  }
0xa8: {  	s28 =	simm.s32 $_size_execute0_lowered;
	s4 =	sadd.s32 s4, s6;
	[dreg:$0x0] =	wrdreg $0x0  }
0xa9: {  	s6 =	sshll.u32 s28, $0x1;
	[dreg:$0x2] =	wrdreg s4  }
0xaa: {  	[dreg:$0x3] =	wrdreg s6  }
0xab: {  	[dreg:$0x4] =	wrdreg $0xC0  }
0xac: {  	_ =	task [dreg:s8], $0x5FFFF  }
0xad: {  	[dreg:$0x1] =	wrdreg $0xFFFFFFFF  }
0xae: {  	[dreg:$0x0] =	wrdreg $0x60  }
0xaf: {  	[dreg:$0x2] =	wrdreg s24  }
0xb0: {  	[dreg:$0x3] =	wrdreg s2  }
0xb1: {  	[dreg:$0x4] =	wrdreg s18  }
0xb2: {  	[dreg:$0x5] =	wrdreg $0x9  }
0xb3: {  	_ =	task.clear_ibuf [dreg:s8], $0x6FFFF;
	_ =	strace $0x90000046  }
0xb4: {  	s29 =	simm.s32 $0x9;
	_ =	strace $0x80000048  }
0xb5: {  	_ =	swait.ge [sflag:s29], $0x1  }
0xb6: {  	[sflag:s29] =	ssyncadd.s32 $0xFFFFFFFF  }
0xb7: {  	_ =	strace $0x90000048  }
0xb8: {  	_ =	sfence  }
0xb9: {  	s30 =	sld [smem:$0x0];
	_ =	sdelay $0x2  }
0xba: {  	s31 =	sshll.u32 s1, $0xD;
	s1 =	sshrl.u32 s1, $0x2  }
0xbb: {  	s3 =	sand.u32 $0x4000, s31;
	s1 =	sadd.s32 s1, s30  }
0xbc: {  	s0 =	sor.u32 s3, s0;
	s1 =	sshll.u32 s1, $0x11  }
0xbd: {  	s0 =	sor.u32 s1, s0  }
0xbe: {  	s0 =	sadd.s32 $0x8F2B, s0  }
0xbf: {  	[sflag:s0] =	ssyncadd.remote.s32 $0x1  }
0xc0: {  	_ =	sfence.sel $0xFFFF  }
0xc1: {  	[dreg:$0x0] =	wrdreg $0xFFFFFFFF;
	(pc) =	sbr.abs _section_cstart, $3  }
0xc2: {  	[dreg:$0x1] =	wrdreg $0xFFFFFFFF  }
0xc3: {  	_ =	task.clear_ibuf [dreg:s8], $0x2FFFF;
	_ =	strace $0x9FFFFFFF  }
0xc4: {  	(tm) =	ssettm $0x7FFFFFFF  }
0xc5: {  	_ =	shalt  }
tec
execute0_lowered:
.L_overlay_start_1:
0x0: {  	(tag) =	ssettag $0x1  }
0x1: {  	s1 =	srdreg.scid;
	s0 =	stileid.u32  }
0x2: {  	s1 =	sand.u32 $0x1, s1;
	s2 =	sshll.u32 s0, $0x1;
	s3 =	sshrl.u32 s0, $0x2  }
0x3: {  	s4 =	rddreg [dreg:$0x0];
	s5 =	sor.u32 s1, s2;
	s3 =	smul.u32 $0x6800, s3  }
0x4: {  	s7 =	rddreg [dreg:$0x2];
	s6 =	sshll.u32 s5, $0x7;
	s8 =	smul.u32 $0x68000, s5  }
0x5: {  	s2 =	rddreg [dreg:$0x1];
	s5 =	smul.u32 $0xD000, s5;
	s6 =	sand.u32 $0x380, s6  }
0x6: {  	s6 =	sor.u32 s3, s6;
	s3 =	simm.s32 $0x0;
	s18 =	sshrl.u32 s8, $0x3  }
0x7: {  	s19 =	sadd.s32 s7, s5;
	[smem:$0x7FF] =	sst s3;
	s31 =	sadd.s32 s7, s18  }
0x8: {  	_ =	strace $0x80000047;
	[dreg:$0x5] =	wrdreg s19;
	s20 =	sadd.s32 $0x1000, s31  }
0x9: {  	s21 =	sadd.s32 $0x2000, s31;
	[dreg:$0x6] =	wrdreg s20  }
0xa: {  	s22 =	sadd.s32 $0x3000, s31;
	[dreg:$0x7] =	wrdreg s21  }
0xb: {  	s6 =	sshrl.u32 s6, $0x3;
	s23 =	sadd.s32 $0x4000, s31;
	[dreg:$0x8] =	wrdreg s22  }
0xc: {  	s4 =	sadd.s32 s6, s4;
	s24 =	sadd.s32 $0x5000, s31;
	[dreg:$0x9] =	wrdreg s23  }
0xd: {  	s4 =	sadd.s32 $0x400, s4;
	[dreg:$0xa] =	wrdreg s24  }
0xe: {  	s5 =	simm.s32 $0x400;
	[dreg:$0x4] =	wrdreg s4  }
0xf: {  	s6 =	simm.s32 $0x5;
	s4 =	simm.s32 $0x80;
	s25 =	rddreg [dreg:$0x4]  }
0x10: {  	[tilespmem:s3], [sflag:$0x5] =	stream.strided.gather [hbm4b:s25+s4], $0xD00, s5, s4, $0x38;
	[tilespmem:$0x10D00] =	vst v63  }
0x11: {  	_ =	swait.ge [sflag:s6], $0xD00  }
0x12: {  	[sflag:s6] =	ssyncset.done $0x0  }
0x13: {  	s8 =	simm.s32 $0xD00;
	s7 =	simm.s32 $0x100;
	[sflag:s6] =	ssyncadd.s32 $0xFFFFF300  }
0x14: {  	[tilespmem:s8], [sflag:$0x1] =	stream.indirect.gather [hbm4b:s2+s7], $0x80, s3, s7, $0xb8;
	[tilespmem:$0x10D00] =	vst v63  }
0x15: {  	s9 =	simm.s32 $0x8D00;
	s10 =	simm.s32 $0x1  }
0x16: {  	[tilespmem:s9], [sflag:$0x2] =	stream.indirect.gather [hbm4b:s2+s7], $0x80, s7, s7, $0xb8;
	[tilespmem:$0x10D00] =	vst v63  }
0x17: {  	_ =	swait.ge [sflag:s10], $0x8000  }
0x18: {  	[sflag:s10] =	ssyncset.done $0x0  }
0x19: {  	s11 =	simm.s32 $0x3;
	s12 =	rddreg [dreg:$0x5];
	[sflag:s10] =	ssyncadd.s32 $0xFFFF8000  }
0x1a: {  	[hbm4b:s12+s3] =	stream.linear.scatter [tilespmem:s8], [sflag:$0x3], $0x8000, $0x38;
	[tilespmem:$0x10D00] =	vst v63  }
0x1b: {  	_ =	swait.ge [sflag:s11], $0x8000  }
0x1c: {  	[sflag:s11] =	ssyncset.done $0x0  }
0x1d: {  	s13 =	simm.s32 $0x2;
	s12 =	simm.s32 $0x200;
	[sflag:s11] =	ssyncadd.s32 $0xFFFF8000  }
0x1e: {  	[tilespmem:s8], [sflag:$0x1] =	stream.indirect.gather [hbm4b:s2+s7], $0x80, s12, s7, $0xb8;
	[tilespmem:$0x10D00] =	vst v63  }
0x1f: {  	_ =	swait.ge [sflag:s13], $0x8000  }
0x20: {  	[sflag:s13] =	ssyncset.done $0x0  }
0x21: {  	s14 =	simm.s32 $0x4;
	s15 =	rddreg [dreg:$0x6];
	[sflag:s13] =	ssyncadd.s32 $0xFFFF8000  }
0x22: {  	[hbm4b:s15+s3] =	stream.linear.scatter [tilespmem:s9], [sflag:$0x4], $0x8000, $0x38;
	[tilespmem:$0x10D00] =	vst v63  }
0x23: {  	_ =	swait.ge [sflag:s14], $0x8000  }
0x24: {  	[sflag:s14] =	ssyncset.done $0x0  }
0x25: {  	s15 =	simm.s32 $0x300;
	[sflag:s14] =	ssyncadd.s32 $0xFFFF8000  }
0x26: {  	[tilespmem:s9], [sflag:$0x2] =	stream.indirect.gather [hbm4b:s2+s7], $0x80, s15, s7, $0xb8;
	[tilespmem:$0x10D00] =	vst v63  }
0x27: {  	_ =	swait.ge [sflag:s10], $0x8000  }
0x28: {  	[sflag:s10] =	ssyncset.done $0x0  }
0x29: {  	s16 =	rddreg [dreg:$0x7];
	[sflag:s10] =	ssyncadd.s32 $0xFFFF8000  }
0x2a: {  	[hbm4b:s16+s3] =	stream.linear.scatter [tilespmem:s8], [sflag:$0x3], $0x8000, $0x38;
	[tilespmem:$0x10D00] =	vst v63  }
0x2b: {  	_ =	swait.ge [sflag:s11], $0x8000  }
0x2c: {  	[sflag:s11] =	ssyncset.done $0x0  }
0x2d: {  	[sflag:s11] =	ssyncadd.s32 $0xFFFF8000  }
0x2e: {  	[tilespmem:s8], [sflag:$0x1] =	stream.indirect.gather [hbm4b:s2+s7], $0x80, s5, s7, $0xb8;
	[tilespmem:$0x10D00] =	vst v63  }
0x2f: {  	_ =	swait.ge [sflag:s13], $0x8000  }
0x30: {  	[sflag:s13] =	ssyncset.done $0x0  }
0x31: {  	s26 =	rddreg [dreg:$0x8];
	[sflag:s13] =	ssyncadd.s32 $0xFFFF8000  }
0x32: {  	[hbm4b:s26+s3] =	stream.linear.scatter [tilespmem:s9], [sflag:$0x4], $0x8000, $0x38;
	[tilespmem:$0x10D00] =	vst v63  }
0x33: {  	_ =	swait.ge [sflag:s14], $0x8000  }
0x34: {  	[sflag:s14] =	ssyncset.done $0x0  }
0x35: {  	s16 =	simm.s32 $0x500;
	[sflag:s14] =	ssyncadd.s32 $0xFFFF8000  }
0x36: {  	[tilespmem:s9], [sflag:$0x2] =	stream.indirect.gather [hbm4b:s2+s7], $0x80, s16, s7, $0xb8;
	[tilespmem:$0x10D00] =	vst v63  }
0x37: {  	_ =	swait.ge [sflag:s10], $0x8000  }
0x38: {  	[sflag:s10] =	ssyncset.done $0x0  }
0x39: {  	s17 =	rddreg [dreg:$0x9];
	[sflag:s10] =	ssyncadd.s32 $0xFFFF8000  }
0x3a: {  	[hbm4b:s17+s3] =	stream.linear.scatter [tilespmem:s8], [sflag:$0x3], $0x8000, $0x38;
	[tilespmem:$0x10D00] =	vst v63  }
0x3b: {  	_ =	swait.ge [sflag:s11], $0x8000  }
0x3c: {  	[sflag:s11] =	ssyncset.done $0x0  }
0x3d: {  	s17 =	simm.s32 $0x600;
	[sflag:s11] =	ssyncadd.s32 $0xFFFF8000  }
0x3e: {  	[tilespmem:s8], [sflag:$0x1] =	stream.indirect.gather [hbm4b:s2+s7], $0x80, s17, s7, $0xb8;
	[tilespmem:$0x10D00] =	vst v63  }
0x3f: {  	_ =	swait.ge [sflag:s13], $0x8000  }
0x40: {  	[sflag:s13] =	ssyncset.done $0x0  }
0x41: {  	s18 =	rddreg [dreg:$0xa];
	[sflag:s13] =	ssyncadd.s32 $0xFFFF8000  }
0x42: {  	[hbm4b:s18+s3] =	stream.linear.scatter [tilespmem:s9], [sflag:$0x4], $0x8000, $0x38;
	[tilespmem:$0x10D00] =	vst v63  }
0x43: {  	_ =	swait.ge [sflag:s14], $0x8000  }
0x44: {  	[sflag:s14] =	ssyncset.done $0x0  }
0x45: {  	s18 =	simm.s32 $0x700;
	[sflag:s14] =	ssyncadd.s32 $0xFFFF8000  }
0x46: {  	[tilespmem:s9], [sflag:$0x2] =	stream.indirect.gather [hbm4b:s2+s7], $0x80, s18, s7, $0xb8;
	[tilespmem:$0x10D00] =	vst v63  }
0x47: {  	_ =	swait.ge [sflag:s10], $0x8000  }
0x48: {  	[sflag:s10] =	ssyncset.done $0x0  }
0x49: {  	s19 =	sadd.s32 $0x6000, s31;
	[sflag:s10] =	ssyncadd.s32 $0xFFFF8000  }
0x4a: {  	[hbm4b:s19+s3] =	stream.linear.scatter [tilespmem:s8], [sflag:$0x3], $0x8000, $0x38;
	[tilespmem:$0x10D00] =	vst v63  }
0x4b: {  	_ =	swait.ge [sflag:s11], $0x8000  }
0x4c: {  	[sflag:s11] =	ssyncset.done $0x0  }
0x4d: {  	s20 =	simm.s32 $0x800;
	[sflag:s11] =	ssyncadd.s32 $0xFFFF8000  }
0x4e: {  	[tilespmem:s8], [sflag:$0x1] =	stream.indirect.gather [hbm4b:s2+s7], $0x80, s20, s7, $0xb8;
	[tilespmem:$0x10D00] =	vst v63  }
0x4f: {  	_ =	swait.ge [sflag:s13], $0x8000  }
0x50: {  	[sflag:s13] =	ssyncset.done $0x0  }
0x51: {  	s21 =	sadd.s32 $0x7000, s31;
	[sflag:s13] =	ssyncadd.s32 $0xFFFF8000  }
0x52: {  	[hbm4b:s21+s3] =	stream.linear.scatter [tilespmem:s9], [sflag:$0x4], $0x8000, $0x38;
	[tilespmem:$0x10D00] =	vst v63  }
0x53: {  	_ =	swait.ge [sflag:s14], $0x8000  }
0x54: {  	[sflag:s14] =	ssyncset.done $0x0  }
0x55: {  	s22 =	simm.s32 $0x900;
	[sflag:s14] =	ssyncadd.s32 $0xFFFF8000  }
0x56: {  	[tilespmem:s9], [sflag:$0x2] =	stream.indirect.gather [hbm4b:s2+s7], $0x80, s22, s7, $0xb8;
	[tilespmem:$0x10D00] =	vst v63  }
0x57: {  	_ =	swait.ge [sflag:s10], $0x8000  }
0x58: {  	[sflag:s10] =	ssyncset.done $0x0  }
0x59: {  	s23 =	sadd.s32 $0x8000, s31;
	[sflag:s10] =	ssyncadd.s32 $0xFFFF8000  }
0x5a: {  	[hbm4b:s23+s3] =	stream.linear.scatter [tilespmem:s8], [sflag:$0x3], $0x8000, $0x38;
	[tilespmem:$0x10D00] =	vst v63  }
0x5b: {  	_ =	swait.ge [sflag:s11], $0x8000  }
0x5c: {  	[sflag:s11] =	ssyncset.done $0x0  }
0x5d: {  	s24 =	simm.s32 $0xA00;
	[sflag:s11] =	ssyncadd.s32 $0xFFFF8000  }
0x5e: {  	[tilespmem:s8], [sflag:$0x1] =	stream.indirect.gather [hbm4b:s2+s7], $0x80, s24, s7, $0xb8;
	[tilespmem:$0x10D00] =	vst v63  }
0x5f: {  	_ =	swait.ge [sflag:s13], $0x8000  }
0x60: {  	[sflag:s13] =	ssyncset.done $0x0  }
0x61: {  	s25 =	sadd.s32 $0x9000, s31;
	[sflag:s13] =	ssyncadd.s32 $0xFFFF8000  }
0x62: {  	[hbm4b:s25+s3] =	stream.linear.scatter [tilespmem:s9], [sflag:$0x4], $0x8000, $0x38;
	[tilespmem:$0x10D00] =	vst v63  }
0x63: {  	_ =	swait.ge [sflag:s14], $0x8000  }
0x64: {  	[sflag:s14] =	ssyncset.done $0x0  }
0x65: {  	s26 =	simm.s32 $0xB00;
	[sflag:s14] =	ssyncadd.s32 $0xFFFF8000  }
0x66: {  	[tilespmem:s9], [sflag:$0x2] =	stream.indirect.gather [hbm4b:s2+s7], $0x80, s26, s7, $0xb8;
	[tilespmem:$0x10D00] =	vst v63  }
0x67: {  	_ =	swait.ge [sflag:s10], $0x8000  }
0x68: {  	[sflag:s10] =	ssyncset.done $0x0  }
0x69: {  	s28 =	sadd.s32 $0xA000, s31;
	[sflag:s10] =	ssyncadd.s32 $0xFFFF8000  }
0x6a: {  	[hbm4b:s28+s3] =	stream.linear.scatter [tilespmem:s8], [sflag:$0x3], $0x8000, $0x38;
	[tilespmem:$0x10D00] =	vst v63  }
0x6b: {  	_ =	swait.ge [sflag:s11], $0x8000  }
0x6c: {  	[sflag:s11] =	ssyncset.done $0x0  }
0x6d: {  	s29 =	simm.s32 $0xC00;
	[sflag:s11] =	ssyncadd.s32 $0xFFFF8000  }
0x6e: {  	[tilespmem:s8], [sflag:$0x1] =	stream.indirect.gather [hbm4b:s2+s7], $0x80, s29, s7, $0xb8;
	[tilespmem:$0x10D00] =	vst v63  }
0x6f: {  	_ =	swait.ge [sflag:s13], $0x8000  }
0x70: {  	s1 =	ssub.s32 $0x2, s1;
	[sflag:s13] =	ssyncset.done $0x0  }
0x71: {  	s0 =	sshrl.u32 s1, $0x1;
	s30 =	sadd.s32 $0xB000, s31;
	[sflag:s13] =	ssyncadd.s32 $0xFFFF8000  }
0x72: {  	[hbm4b:s30+s3] =	stream.linear.scatter [tilespmem:s9], [sflag:$0x4], $0x8000, $0x38;
	[tilespmem:$0x10D00] =	vst v63  }
0x73: {  	s0 =	ssub.s32 s1, s0;
	_ =	swait.ge [sflag:s10], $0x8000  }
0x74: {  	s0 =	smax.u32 s0, $0x1;
	[sflag:s10] =	ssyncset.done $0x0  }
0x75: {  	p0 =	sne.s32 s0, $0x1;
	s31 =	sadd.s32 $0xC000, s31;
	[sflag:s10] =	ssyncadd.s32 $0xFFFF8000  }
0x76: {  	[hbm4b:s31+s3] =	stream.linear.scatter [tilespmem:s8], [sflag:$0x3], $0x8000, $0x38;
	[tilespmem:$0x10D00] =	vst v63  }
.Ltmp0:
0x77: {  	_ =	swait.ge [sflag:s14], $0x8000;
	(pc) =	sbr.rel @!p0 .LBB2_2-.Ltmp0, $4  }
0x78: {  	[sflag:s14] =	ssyncset.done $0x0  }
0x79: {  	[sflag:s14] =	ssyncadd.s32 $0xFFFF8000  }
0x7a: {  	_ =	swait.ge [sflag:s11], $0x8000  }
0x7b: {  	s1 =	sadd.s32 $0xFFFFFFFF, s0;
	[sflag:s11] =	ssyncset.done $0x0  }
.LBB2_1:
0x7c: {  	s0 =	rddreg [dreg:$0x4];
	[sflag:s11] =	ssyncadd.s32 $0xFFFF8000  }
0x7d: {  	[tilespmem:s3], [sflag:$0x5] =	stream.strided.gather [hbm4b:s0+s4], $0xD00, s5, s4, $0x38;
	[tilespmem:$0x10D00] =	vst v63  }
0x7e: {  	_ =	swait.ge [sflag:s6], $0xD00  }
0x7f: {  	[sflag:s6] =	ssyncset.done $0x0  }
0x80: {  	[sflag:s6] =	ssyncadd.s32 $0xFFFFF300  }
0x81: {  	[tilespmem:s8], [sflag:$0x1] =	stream.indirect.gather [hbm4b:s2+s7], $0x80, s3, s7, $0xb8;
	[tilespmem:$0x10D00] =	vst v63  }
0x82: {  	_ = 	snop  }
0x83: {  	[tilespmem:s9], [sflag:$0x2] =	stream.indirect.gather [hbm4b:s2+s7], $0x80, s7, s7, $0xb8;
	[tilespmem:$0x10D00] =	vst v63  }
0x84: {  	_ =	swait.ge [sflag:s10], $0x8000  }
0x85: {  	[sflag:s10] =	ssyncset.done $0x0  }
0x86: {  	s0 =	rddreg [dreg:$0x5];
	[sflag:s10] =	ssyncadd.s32 $0xFFFF8000  }
0x87: {  	[hbm4b:s0+s3] =	stream.linear.scatter [tilespmem:s8], [sflag:$0x3], $0x8000, $0x38;
	[tilespmem:$0x10D00] =	vst v63  }
0x88: {  	_ =	swait.ge [sflag:s11], $0x8000  }
0x89: {  	[sflag:s11] =	ssyncset.done $0x0  }
0x8a: {  	[sflag:s11] =	ssyncadd.s32 $0xFFFF8000  }
0x8b: {  	[tilespmem:s8], [sflag:$0x1] =	stream.indirect.gather [hbm4b:s2+s7], $0x80, s12, s7, $0xb8;
	[tilespmem:$0x10D00] =	vst v63  }
0x8c: {  	_ =	swait.ge [sflag:s13], $0x8000  }
0x8d: {  	[sflag:s13] =	ssyncset.done $0x0  }
0x8e: {  	s0 =	rddreg [dreg:$0x6];
	[sflag:s13] =	ssyncadd.s32 $0xFFFF8000  }
0x8f: {  	[hbm4b:s0+s3] =	stream.linear.scatter [tilespmem:s9], [sflag:$0x4], $0x8000, $0x38;
	[tilespmem:$0x10D00] =	vst v63  }
0x90: {  	_ =	swait.ge [sflag:s14], $0x8000  }
0x91: {  	[sflag:s14] =	ssyncset.done $0x0  }
0x92: {  	[sflag:s14] =	ssyncadd.s32 $0xFFFF8000  }
0x93: {  	[tilespmem:s9], [sflag:$0x2] =	stream.indirect.gather [hbm4b:s2+s7], $0x80, s15, s7, $0xb8;
	[tilespmem:$0x10D00] =	vst v63  }
0x94: {  	_ =	swait.ge [sflag:s10], $0x8000  }
0x95: {  	[sflag:s10] =	ssyncset.done $0x0  }
0x96: {  	s0 =	rddreg [dreg:$0x7];
	[sflag:s10] =	ssyncadd.s32 $0xFFFF8000  }
0x97: {  	[hbm4b:s0+s3] =	stream.linear.scatter [tilespmem:s8], [sflag:$0x3], $0x8000, $0x38;
	[tilespmem:$0x10D00] =	vst v63  }
0x98: {  	_ =	swait.ge [sflag:s11], $0x8000  }
0x99: {  	[sflag:s11] =	ssyncset.done $0x0  }
0x9a: {  	[sflag:s11] =	ssyncadd.s32 $0xFFFF8000  }
0x9b: {  	[tilespmem:s8], [sflag:$0x1] =	stream.indirect.gather [hbm4b:s2+s7], $0x80, s5, s7, $0xb8;
	[tilespmem:$0x10D00] =	vst v63  }
0x9c: {  	_ =	swait.ge [sflag:s13], $0x8000  }
0x9d: {  	[sflag:s13] =	ssyncset.done $0x0  }
0x9e: {  	s0 =	rddreg [dreg:$0x8];
	[sflag:s13] =	ssyncadd.s32 $0xFFFF8000  }
0x9f: {  	[hbm4b:s0+s3] =	stream.linear.scatter [tilespmem:s9], [sflag:$0x4], $0x8000, $0x38;
	[tilespmem:$0x10D00] =	vst v63  }
0xa0: {  	_ =	swait.ge [sflag:s14], $0x8000  }
0xa1: {  	[sflag:s14] =	ssyncset.done $0x0  }
0xa2: {  	[sflag:s14] =	ssyncadd.s32 $0xFFFF8000  }
0xa3: {  	[tilespmem:s9], [sflag:$0x2] =	stream.indirect.gather [hbm4b:s2+s7], $0x80, s16, s7, $0xb8;
	[tilespmem:$0x10D00] =	vst v63  }
0xa4: {  	_ =	swait.ge [sflag:s10], $0x8000  }
0xa5: {  	[sflag:s10] =	ssyncset.done $0x0  }
0xa6: {  	s0 =	rddreg [dreg:$0x9];
	[sflag:s10] =	ssyncadd.s32 $0xFFFF8000  }
0xa7: {  	[hbm4b:s0+s3] =	stream.linear.scatter [tilespmem:s8], [sflag:$0x3], $0x8000, $0x38;
	[tilespmem:$0x10D00] =	vst v63  }
0xa8: {  	_ =	swait.ge [sflag:s11], $0x8000  }
0xa9: {  	[sflag:s11] =	ssyncset.done $0x0  }
0xaa: {  	[sflag:s11] =	ssyncadd.s32 $0xFFFF8000  }
0xab: {  	[tilespmem:s8], [sflag:$0x1] =	stream.indirect.gather [hbm4b:s2+s7], $0x80, s17, s7, $0xb8;
	[tilespmem:$0x10D00] =	vst v63  }
0xac: {  	_ =	swait.ge [sflag:s13], $0x8000  }
0xad: {  	[sflag:s13] =	ssyncset.done $0x0  }
0xae: {  	s0 =	rddreg [dreg:$0xa];
	[sflag:s13] =	ssyncadd.s32 $0xFFFF8000  }
0xaf: {  	[hbm4b:s0+s3] =	stream.linear.scatter [tilespmem:s9], [sflag:$0x4], $0x8000, $0x38;
	[tilespmem:$0x10D00] =	vst v63  }
0xb0: {  	_ =	swait.ge [sflag:s14], $0x8000  }
0xb1: {  	[sflag:s14] =	ssyncset.done $0x0  }
0xb2: {  	[sflag:s14] =	ssyncadd.s32 $0xFFFF8000  }
0xb3: {  	[tilespmem:s9], [sflag:$0x2] =	stream.indirect.gather [hbm4b:s2+s7], $0x80, s18, s7, $0xb8;
	[tilespmem:$0x10D00] =	vst v63  }
0xb4: {  	_ =	swait.ge [sflag:s10], $0x8000  }
0xb5: {  	[sflag:s10] =	ssyncset.done $0x0  }
0xb6: {  	[sflag:s10] =	ssyncadd.s32 $0xFFFF8000  }
0xb7: {  	[hbm4b:s19+s3] =	stream.linear.scatter [tilespmem:s8], [sflag:$0x3], $0x8000, $0x38;
	[tilespmem:$0x10D00] =	vst v63  }
0xb8: {  	_ =	swait.ge [sflag:s11], $0x8000  }
0xb9: {  	[sflag:s11] =	ssyncset.done $0x0  }
0xba: {  	[sflag:s11] =	ssyncadd.s32 $0xFFFF8000  }
0xbb: {  	[tilespmem:s8], [sflag:$0x1] =	stream.indirect.gather [hbm4b:s2+s7], $0x80, s20, s7, $0xb8;
	[tilespmem:$0x10D00] =	vst v63  }
0xbc: {  	_ =	swait.ge [sflag:s13], $0x8000  }
0xbd: {  	[sflag:s13] =	ssyncset.done $0x0  }
0xbe: {  	[sflag:s13] =	ssyncadd.s32 $0xFFFF8000  }
0xbf: {  	[hbm4b:s21+s3] =	stream.linear.scatter [tilespmem:s9], [sflag:$0x4], $0x8000, $0x38;
	[tilespmem:$0x10D00] =	vst v63  }
0xc0: {  	_ =	swait.ge [sflag:s14], $0x8000  }
0xc1: {  	[sflag:s14] =	ssyncset.done $0x0  }
0xc2: {  	[sflag:s14] =	ssyncadd.s32 $0xFFFF8000  }
0xc3: {  	[tilespmem:s9], [sflag:$0x2] =	stream.indirect.gather [hbm4b:s2+s7], $0x80, s22, s7, $0xb8;
	[tilespmem:$0x10D00] =	vst v63  }
0xc4: {  	_ =	swait.ge [sflag:s10], $0x8000  }
0xc5: {  	[sflag:s10] =	ssyncset.done $0x0  }
0xc6: {  	[sflag:s10] =	ssyncadd.s32 $0xFFFF8000  }
0xc7: {  	[hbm4b:s23+s3] =	stream.linear.scatter [tilespmem:s8], [sflag:$0x3], $0x8000, $0x38;
	[tilespmem:$0x10D00] =	vst v63  }
0xc8: {  	_ =	swait.ge [sflag:s11], $0x8000  }
0xc9: {  	[sflag:s11] =	ssyncset.done $0x0  }
0xca: {  	[sflag:s11] =	ssyncadd.s32 $0xFFFF8000  }
0xcb: {  	[tilespmem:s8], [sflag:$0x1] =	stream.indirect.gather [hbm4b:s2+s7], $0x80, s24, s7, $0xb8;
	[tilespmem:$0x10D00] =	vst v63  }
0xcc: {  	_ =	swait.ge [sflag:s13], $0x8000  }
0xcd: {  	[sflag:s13] =	ssyncset.done $0x0  }
0xce: {  	[sflag:s13] =	ssyncadd.s32 $0xFFFF8000  }
0xcf: {  	[hbm4b:s25+s3] =	stream.linear.scatter [tilespmem:s9], [sflag:$0x4], $0x8000, $0x38;
	[tilespmem:$0x10D00] =	vst v63  }
0xd0: {  	_ =	swait.ge [sflag:s14], $0x8000  }
0xd1: {  	[sflag:s14] =	ssyncset.done $0x0  }
0xd2: {  	[sflag:s14] =	ssyncadd.s32 $0xFFFF8000  }
0xd3: {  	[tilespmem:s9], [sflag:$0x2] =	stream.indirect.gather [hbm4b:s2+s7], $0x80, s26, s7, $0xb8;
	[tilespmem:$0x10D00] =	vst v63  }
0xd4: {  	_ =	swait.ge [sflag:s10], $0x8000  }
0xd5: {  	[sflag:s10] =	ssyncset.done $0x0  }
0xd6: {  	[sflag:s10] =	ssyncadd.s32 $0xFFFF8000  }
0xd7: {  	[hbm4b:s28+s3] =	stream.linear.scatter [tilespmem:s8], [sflag:$0x3], $0x8000, $0x38;
	[tilespmem:$0x10D00] =	vst v63  }
0xd8: {  	_ =	swait.ge [sflag:s11], $0x8000  }
0xd9: {  	[sflag:s11] =	ssyncset.done $0x0  }
0xda: {  	[sflag:s11] =	ssyncadd.s32 $0xFFFF8000  }
0xdb: {  	[tilespmem:s8], [sflag:$0x1] =	stream.indirect.gather [hbm4b:s2+s7], $0x80, s29, s7, $0xb8;
	[tilespmem:$0x10D00] =	vst v63  }
0xdc: {  	_ =	swait.ge [sflag:s13], $0x8000  }
0xdd: {  	[sflag:s13] =	ssyncset.done $0x0  }
0xde: {  	[sflag:s13] =	ssyncadd.s32 $0xFFFF8000  }
0xdf: {  	[hbm4b:s30+s3] =	stream.linear.scatter [tilespmem:s9], [sflag:$0x4], $0x8000, $0x38;
	[tilespmem:$0x10D00] =	vst v63  }
0xe0: {  	_ =	swait.ge [sflag:s10], $0x8000  }
0xe1: {  	[sflag:s10] =	ssyncset.done $0x0  }
0xe2: {  	p0 =	sne.s32 s1, $0x1;
	[sflag:s10] =	ssyncadd.s32 $0xFFFF8000  }
0xe3: {  	[hbm4b:s31+s3] =	stream.linear.scatter [tilespmem:s8], [sflag:$0x3], $0x8000, $0x38;
	[tilespmem:$0x10D00] =	vst v63  }
.Ltmp1:
0xe4: {  	_ =	swait.ge [sflag:s14], $0x8000;
	(pc) =	sbr.rel @p0 .LBB2_1-.Ltmp1, $4  }
0xe5: {  	[sflag:s14] =	ssyncset.done $0x0  }
0xe6: {  	[sflag:s14] =	ssyncadd.s32 $0xFFFF8000  }
0xe7: {  	_ =	swait.ge [sflag:s11], $0x8000  }
0xe8: {  	s1 =	sadd.s32 $0xFFFFFFFF, s1;
	[sflag:s11] =	ssyncset.done $0x0  }
.LBB2_2:
0xe9: {  	[sflag:s11] =	ssyncadd.s32 $0xFFFF8000  }
0xea: {  	_ =	sfence.sel $0x180000  }
0xeb: {  	[bflag:$0x0] =	sbarrier.arrive $0xFFFF  }
0xec: {  	_ =	strace $0x90000047  }
0xed: {  	s0 =	stileid.u32;
	[bflag:$0x2] =	sbarrier.arrive $0xFFFF  }
0xee: {  	p0 =	sne.s32 s0, $0x0;
	s0 =	rddreg [dreg:$0x3]  }
0xef: {  	s0 =	sadd.s32 @!p0 $0x100000, s0  }
0xf0: {  	[sflag:s0] =	ssyncadd.tile.s32 @!p0 $0x1;
	_ =	shalt  }
.Lfunc_end2:
_tile_overlayer_lowered:
.L_overlay_start_2:
0xf1: {  	(tag) =	ssettag $0x2  }
0xf2: {  	s0 =	rddreg [dreg:$0x0];
	s2 =	stileid.u32  }
0xf3: {  	s1 =	rddreg [dreg:$0x1];
	p0 =	sne.s32 s2, $0x0  }
0xf4: {  	s3 =	rddreg [dreg:$0x2];
	[bflag:$0x3] =	sbarrier.arrive $0xFFFF;
	s2 =	simm.s32 @!p0 $0x1C05  }
0xf5: {  	[timem:s3], [sflag:s2] =	dma.local @!p0 [hbm:s0], s1  }
0xf6: {  	s0 =	simm.s32 @!p0 $0x5  }
0xf7: {  	_ =	swait.ge @!p0 [sflag:s0], s1  }
0xf8: {  	s1 =	ssub.s32 @!p0 $0x0, s1;
	[sflag:s0] =	ssyncset.done @!p0 $0x0  }
0xf9: {  	[sflag:s0] =	ssyncadd.s32 @!p0 s1  }
0xfa: {  	[bflag:$0x3] =	sbarrier.arrive $0xFFFF  }
0xfb: {  	_ =	shalt  }

</sc_bundles>
